<compile_context>
chip_gen: v7x
topology: tpu7x:2x2x1
jax: 0.10.2.dev20260603
libtpu: 0.0.44.dev20260713+nightly
codegen_flags: <defaults>
</compile_context>

<pallas_src>
import functools

import jax
import jax.numpy as jnp
from jax import lax
from jax.experimental import pallas as pl
from jax.experimental.pallas import tpu as pltpu
from jax.experimental.pallas import tpu_sc as plsc

B = 16384
F = 26
V = 100000
D = 16
A = 10

_NC = 2
_NS = 16
_NW = _NC * _NS


def _sc_gather(tab_flat, idx_flat):
    n = idx_flat.shape[0]
    b_per_w = n // _NW
    chunk = 3328
    n_ch = b_per_w // chunk

    mesh = plsc.VectorSubcoreMesh(core_axis_name="c", subcore_axis_name="s")

    @functools.partial(
        pl.kernel,
        mesh=mesh,
        compiler_params=pltpu.CompilerParams(use_tc_tiling_on_sc=False),
        out_type=jax.ShapeDtypeStruct((n, D), jnp.float32),
        scratch_types=[
            pltpu.VMEM((chunk,), jnp.int32),
            pltpu.VMEM((chunk, D), jnp.float32),
            pltpu.SemaphoreType.DMA,
        ],
    )
    def gather_k(tab_hbm, idx_hbm, out_hbm, idx_v, rows_v, sem):
        wid = lax.axis_index("s") * _NC + lax.axis_index("c")
        base = wid * b_per_w
        for c in range(n_ch):
            off = base + c * chunk
            pltpu.sync_copy(idx_hbm.at[pl.ds(off, chunk)], idx_v)
            pltpu.async_copy(tab_hbm.at[idx_v], rows_v, sem).wait()
            pltpu.sync_copy(rows_v, out_hbm.at[pl.ds(off, chunk)])

    return gather_k(tab_flat, idx_flat)


def _tc_afm(emb2d, t16, w1big, w2big, wpbig, b1t, wlin, blin):
    bb = 512
    fd = F * D

    def body(r_ref, t16_ref, w1_ref, w2_ref, wp_ref, b1_ref, wl_ref, bl_ref,
             o_ref):
        r = r_ref[...]
        t16v = t16_ref[...]
        w1 = w1_ref[...]
        w2 = w2_ref[...]
        wp = wp_ref[...]
        b1v = b1_ref[...]
        col = lax.broadcasted_iota(jnp.int32, (1, F), 1)
        den = jnp.zeros((bb, 1), dtype=jnp.float32)
        num = jnp.zeros((bb, 1), dtype=jnp.float32)
        for f1 in range(F - 1):
            e1 = r[:, f1 * D:(f1 + 1) * D]
            e1bc = jnp.dot(e1, t16v,
                           preferred_element_type=jnp.float32)
            prodf = e1bc * r
            h = jnp.maximum(
                jnp.dot(prodf, w1, preferred_element_type=jnp.float32) + b1v,
                0.0)
            lg = jnp.dot(h, w2, preferred_element_type=jnp.float32)
            sv = jnp.dot(prodf, wp, preferred_element_type=jnp.float32)
            valid = col > f1
            e = jnp.where(valid, jnp.exp(lg), 0.0)
            den = den + jnp.sum(e, axis=1, keepdims=True)
            num = num + jnp.sum(e * sv, axis=1, keepdims=True)
        y_afm = num / den
        y_lin = jnp.dot(r, wl_ref[...],
                        preferred_element_type=jnp.float32) + bl_ref[0, 0]
        o_ref[...] = jax.nn.sigmoid(y_lin + y_afm)

    grid = (B // bb,)
    full = lambda shape: pl.BlockSpec(shape, lambda i: (0, 0))
    return pl.pallas_call(
        body,
        grid=grid,
        in_specs=[
            pl.BlockSpec((bb, fd), lambda i: (i, 0)),
            full((D, fd)),
            full((fd, F * A)),
            full((F * A, F)),
            full((fd, F)),
            full((1, F * A)),
            full((fd, 1)),
            full((1, 1)),
        ],
        out_specs=pl.BlockSpec((bb, 1), lambda i: (i, 0)),
        out_shape=jax.ShapeDtypeStruct((B, 1), jnp.float32),
    )(emb2d, t16, w1big, w2big, wpbig, b1t, wlin, blin)


def kernel(x, emb_tables, linear_w, linear_b, att_w1, att_b1, att_w2,
           weight_p):
    tab = emb_tables.reshape(F * V, D)
    idx = (x + (jnp.arange(F, dtype=x.dtype) * V)[None, :]).reshape(-1)
    emb_flat = _sc_gather(tab, idx)
    emb2d = emb_flat.reshape(B, F * D)

    eye = jnp.eye(F, dtype=jnp.float32)
    t16 = jnp.tile(jnp.eye(D, dtype=jnp.float32), (1, F))
    w1big = jnp.kron(eye, att_w1)
    w2big = jnp.kron(eye, att_w2)
    wpbig = jnp.kron(eye, weight_p)
    b1t = jnp.tile(att_b1, F)[None, :]
    blin = linear_b.reshape(1, 1)

    y = _tc_afm(emb2d, t16, w1big, w2big, wpbig, b1t, linear_w, blin)
    return y[:, 0]

# --- scband reference (transcript-rebuilt; emitter-appended) ---
"""Pipeline reference for scband-afm-3066606649793 (READ-ONLY COPY).

The authoritative reference and input builder live on the scoring server;
editing this copy changes nothing except your own understanding.
"""

import jax, jax.numpy as jnp
import numpy as np

B = 16384   # batch
F = 26      # n_sparse_fields
V = 100000  # vocab per field
D = 16      # embed_dim
A = 10      # attention_dim


def setup_inputs(seed: int = 0) -> dict:
    key = jax.random.key(seed)
    ks = jax.random.split(key, 8)
    x = jax.random.randint(ks[0], (B, F), 0, V)
    # per-field embedding tables (EmbeddingLayer), shared by linear_features and afm_features
    emb_tables = jax.random.normal(ks[1], (F, V, D), dtype=jnp.float32) * 0.01
    # LR over concatenated (squeeze_dim=True) embeddings: Linear(F*D, 1)
    linear_w = jax.random.normal(ks[2], (F * D, 1), dtype=jnp.float32) * 0.02
    linear_b = jnp.zeros((1,), dtype=jnp.float32)
    # attention_layer: Linear(D, A) -> ReLU -> Linear(A, 1, bias=False) -> Softmax(dim=1)
    att_w1 = jax.random.normal(ks[3], (D, A), dtype=jnp.float32) * 0.1
    att_b1 = jnp.zeros((A,), dtype=jnp.float32)
    att_w2 = jax.random.normal(ks[4], (A, 1), dtype=jnp.float32) * 0.1
    # weight_p: Linear(D, 1, bias=False)
    weight_p = jax.random.normal(ks[5], (D, 1), dtype=jnp.float32) * 0.1
    return {
        "x": x,
        "emb_tables": emb_tables,
        "linear_w": linear_w,
        "linear_b": linear_b,
        "att_w1": att_w1,
        "att_b1": att_b1,
        "att_w2": att_w2,
        "weight_p": weight_p,
    }


def reference(x, emb_tables, linear_w, linear_b, att_w1, att_b1, att_w2, weight_p):
    # embedding lookup: per-field gather -> [B, F, D]
    emb = jnp.transpose(emb_tables[jnp.arange(F)[:, None], jnp.transpose(x)], (1, 0, 2))
    # linear part (squeeze_dim=True -> flatten fields)
    input_linear = emb.reshape(emb.shape[0], -1)
    y_linear = input_linear @ linear_w + linear_b  # [B, 1]
    # AFMLayer: pairwise field interactions via triu index_select
    iu, ju = np.triu_indices(F, k=1)
    emb1 = jnp.take(emb, jnp.asarray(iu), axis=1)  # [B, P, D]
    emb2 = jnp.take(emb, jnp.asarray(ju), axis=1)  # [B, P, D]
    afm_product = emb1 * emb2                      # [B, P, D]
    # attention over the P pairwise terms
    h = jax.nn.relu(afm_product @ att_w1 + att_b1)  # [B, P, A]
    logits = h @ att_w2                             # [B, P, 1]
    attention_weight = jax.nn.softmax(logits, axis=1)
    # dropout p=0 -> identity
    attention_sum = jnp.sum(attention_weight * afm_product, axis=1)  # [B, D]
    y_afm = attention_sum @ weight_p  # [B, 1]
    y = y_linear + y_afm
    return jax.nn.sigmoid(jnp.squeeze(y, axis=1))  # [B]

if __name__ == "__main__":
    import jax
    _d = setup_inputs()
    print(jax.jit(kernel)(*tuple(_d.values())))

</pallas_src>

<mosaic_0001>
#map = affine_map<(d0, d1) -> (0, 0)>
#map1 = affine_map<(d0, d1) -> (0)>
module attributes {stable_mosaic.version = 14 : i64} {
  func.func @gather_k(%arg0: i32, %arg1: i32, %arg2: memref<2600000x16xf32, #tpu.memory_space<hbm>>, %arg3: memref<425984xi32, #tpu.memory_space<hbm>>, %arg4: memref<425984x16xf32, #tpu.memory_space<hbm>>, %arg5: memref<3328xi32, #tpu.memory_space<vmem>>, %arg6: memref<3328x16xf32, #tpu.memory_space<vmem>>, %arg7: memref<!tpu.dma_semaphore, #tpu.memory_space<semaphore_mem>>) attributes {dimension_semantics = [#tpu.dimension_semantics<core_parallel>, #tpu.dimension_semantics<subcore_parallel>], iteration_bounds = array<i64: 2, 16>, scalar_prefetch = 0 : i64, scratch_operands = 3 : i64, tpu.core_type = #tpu.core_type<sc_vector_subcore>, window_params = [{transform_indices = #map}, {transform_indices = #map1}, {transform_indices = #map}]} {
    %mul3A = arith.constant 2 : i32
    %mul3A_0 = arith.muli %arg1, %mul3A : i32
    %add3A = arith.addi %mul3A_0, %arg0 : i32
    %mul3A_1 = arith.constant 13312 : i32
    %mul3A_2 = arith.muli %add3A, %mul3A_1 : i32
    %add3A_3 = arith.constant 0 : i32
    %add3A_4 = arith.addi %mul3A_2, %add3A_3 : i32
    "tpu.region"() ({
      %run_scoped3A = tpu.sem_alloc : memref<!tpu.dma_semaphore, #tpu.memory_space<semaphore_mem>>
      %dma_start3A_33 = tpu.memref_slice %arg3[%add3A_4] : memref<425984xi32, #tpu.memory_space<hbm>> -> memref<3328xi32, #tpu.memory_space<hbm>>
      %dma_start3A_34 = tpu.memref_slice %arg3[%add3A_4] : memref<425984xi32, #tpu.memory_space<hbm>> -> memref<3328xi32, #tpu.memory_space<hbm>>
      tpu.enqueue_dma source(%dma_start3A_34 : memref<3328xi32, #tpu.memory_space<hbm>>) target(%arg5 : memref<3328xi32, #tpu.memory_space<vmem>>) target_semaphore(%run_scoped3A : memref<!tpu.dma_semaphore, #tpu.memory_space<semaphore_mem>>)
      %dma_wait3A_35 = tpu.memref_slice %arg3[%add3A_4] : memref<425984xi32, #tpu.memory_space<hbm>> -> memref<3328xi32, #tpu.memory_space<hbm>>
      %dma_wait3A_36 = tpu.memref_slice %arg3[%add3A_4] : memref<425984xi32, #tpu.memory_space<hbm>> -> memref<3328xi32, #tpu.memory_space<hbm>>
      tpu.wait_dma2 semaphore(%run_scoped3A : memref<!tpu.dma_semaphore, #tpu.memory_space<semaphore_mem>>) src(%dma_wait3A_36 : memref<3328xi32, #tpu.memory_space<hbm>>) dst(%arg5 : memref<3328xi32, #tpu.memory_space<vmem>>)
      tpu.yield
    }) : () -> ()
    %dma_start3A = arith.constant 0 : i32
    %dma_start3A_5 = arith.constant 0 : i32
    %dma_start3A_6 = tpu.memref_slice %arg2[%dma_start3A, %dma_start3A_5] : memref<2600000x16xf32, #tpu.memory_space<hbm>> -> memref<2600000x16xf32, #tpu.memory_space<hbm>>
    tpu.enqueue_indirect_dma source(%dma_start3A_6 : memref<2600000x16xf32, #tpu.memory_space<hbm>>) target(%arg6 : memref<3328x16xf32, #tpu.memory_space<vmem>>) offsets(%arg5 : memref<3328xi32, #tpu.memory_space<vmem>>) semaphore(%arg7 : memref<!tpu.dma_semaphore, #tpu.memory_space<semaphore_mem>>)
    %dma_wait3A = arith.constant 0 : i32
    %dma_wait3A_7 = arith.constant 0 : i32
    %dma_wait3A_8 = tpu.memref_slice %arg2[%dma_wait3A, %dma_wait3A_7] : memref<2600000x16xf32, #tpu.memory_space<hbm>> -> memref<2600000x16xf32, #tpu.memory_space<hbm>>
    tpu.wait_indirect_dma semaphore(%arg7 : memref<!tpu.dma_semaphore, #tpu.memory_space<semaphore_mem>>) src(%dma_wait3A_8 : memref<2600000x16xf32, #tpu.memory_space<hbm>>) dst(%arg6 : memref<3328x16xf32, #tpu.memory_space<vmem>>)
    "tpu.region"() ({
      %run_scoped3A = tpu.sem_alloc : memref<!tpu.dma_semaphore, #tpu.memory_space<semaphore_mem>>
      %dma_start3A_33 = arith.constant 0 : i32
      %dma_start3A_34 = tpu.memref_slice %arg4[%add3A_4, %dma_start3A_33] : memref<425984x16xf32, #tpu.memory_space<hbm>> -> memref<3328x16xf32, #tpu.memory_space<hbm>>
      %dma_start3A_35 = arith.constant 0 : i32
      %dma_start3A_36 = tpu.memref_slice %arg4[%add3A_4, %dma_start3A_35] : memref<425984x16xf32, #tpu.memory_space<hbm>> -> memref<3328x16xf32, #tpu.memory_space<hbm>>
      tpu.enqueue_dma source(%arg6 : memref<3328x16xf32, #tpu.memory_space<vmem>>) target(%dma_start3A_36 : memref<3328x16xf32, #tpu.memory_space<hbm>>) target_semaphore(%run_scoped3A : memref<!tpu.dma_semaphore, #tpu.memory_space<semaphore_mem>>)
      %dma_wait3A_37 = arith.constant 0 : i32
      %dma_wait3A_38 = tpu.memref_slice %arg4[%add3A_4, %dma_wait3A_37] : memref<425984x16xf32, #tpu.memory_space<hbm>> -> memref<3328x16xf32, #tpu.memory_space<hbm>>
      %dma_wait3A_39 = arith.constant 0 : i32
      %dma_wait3A_40 = tpu.memref_slice %arg4[%add3A_4, %dma_wait3A_39] : memref<425984x16xf32, #tpu.memory_space<hbm>> -> memref<3328x16xf32, #tpu.memory_space<hbm>>
      tpu.wait_dma2 semaphore(%run_scoped3A : memref<!tpu.dma_semaphore, #tpu.memory_space<semaphore_mem>>) src(%arg6 : memref<3328x16xf32, #tpu.memory_space<vmem>>) dst(%dma_wait3A_40 : memref<3328x16xf32, #tpu.memory_space<hbm>>)
      tpu.yield
    }) : () -> ()
    %add3A_9 = arith.constant 3328 : i32
    %add3A_10 = arith.addi %mul3A_2, %add3A_9 : i32
    "tpu.region"() ({
      %run_scoped3A = tpu.sem_alloc : memref<!tpu.dma_semaphore, #tpu.memory_space<semaphore_mem>>
      %dma_start3A_33 = tpu.memref_slice %arg3[%add3A_10] : memref<425984xi32, #tpu.memory_space<hbm>> -> memref<3328xi32, #tpu.memory_space<hbm>>
      %dma_start3A_34 = tpu.memref_slice %arg3[%add3A_10] : memref<425984xi32, #tpu.memory_space<hbm>> -> memref<3328xi32, #tpu.memory_space<hbm>>
      tpu.enqueue_dma source(%dma_start3A_34 : memref<3328xi32, #tpu.memory_space<hbm>>) target(%arg5 : memref<3328xi32, #tpu.memory_space<vmem>>) target_semaphore(%run_scoped3A : memref<!tpu.dma_semaphore, #tpu.memory_space<semaphore_mem>>)
      %dma_wait3A_35 = tpu.memref_slice %arg3[%add3A_10] : memref<425984xi32, #tpu.memory_space<hbm>> -> memref<3328xi32, #tpu.memory_space<hbm>>
      %dma_wait3A_36 = tpu.memref_slice %arg3[%add3A_10] : memref<425984xi32, #tpu.memory_space<hbm>> -> memref<3328xi32, #tpu.memory_space<hbm>>
      tpu.wait_dma2 semaphore(%run_scoped3A : memref<!tpu.dma_semaphore, #tpu.memory_space<semaphore_mem>>) src(%dma_wait3A_36 : memref<3328xi32, #tpu.memory_space<hbm>>) dst(%arg5 : memref<3328xi32, #tpu.memory_space<vmem>>)
      tpu.yield
    }) : () -> ()
    %dma_start3A_11 = arith.constant 0 : i32
    %dma_start3A_12 = arith.constant 0 : i32
    %dma_start3A_13 = tpu.memref_slice %arg2[%dma_start3A_11, %dma_start3A_12] : memref<2600000x16xf32, #tpu.memory_space<hbm>> -> memref<2600000x16xf32, #tpu.memory_space<hbm>>
    tpu.enqueue_indirect_dma source(%dma_start3A_13 : memref<2600000x16xf32, #tpu.memory_space<hbm>>) target(%arg6 : memref<3328x16xf32, #tpu.memory_space<vmem>>) offsets(%arg5 : memref<3328xi32, #tpu.memory_space<vmem>>) semaphore(%arg7 : memref<!tpu.dma_semaphore, #tpu.memory_space<semaphore_mem>>)
    %dma_wait3A_14 = arith.constant 0 : i32
    %dma_wait3A_15 = arith.constant 0 : i32
    %dma_wait3A_16 = tpu.memref_slice %arg2[%dma_wait3A_14, %dma_wait3A_15] : memref<2600000x16xf32, #tpu.memory_space<hbm>> -> memref<2600000x16xf32, #tpu.memory_space<hbm>>
    tpu.wait_indirect_dma semaphore(%arg7 : memref<!tpu.dma_semaphore, #tpu.memory_space<semaphore_mem>>) src(%dma_wait3A_16 : memref<2600000x16xf32, #tpu.memory_space<hbm>>) dst(%arg6 : memref<3328x16xf32, #tpu.memory_space<vmem>>)
    "tpu.region"() ({
      %run_scoped3A = tpu.sem_alloc : memref<!tpu.dma_semaphore, #tpu.memory_space<semaphore_mem>>
      %dma_start3A_33 = arith.constant 0 : i32
      %dma_start3A_34 = tpu.memref_slice %arg4[%add3A_10, %dma_start3A_33] : memref<425984x16xf32, #tpu.memory_space<hbm>> -> memref<3328x16xf32, #tpu.memory_space<hbm>>
      %dma_start3A_35 = arith.constant 0 : i32
      %dma_start3A_36 = tpu.memref_slice %arg4[%add3A_10, %dma_start3A_35] : memref<425984x16xf32, #tpu.memory_space<hbm>> -> memref<3328x16xf32, #tpu.memory_space<hbm>>
      tpu.enqueue_dma source(%arg6 : memref<3328x16xf32, #tpu.memory_space<vmem>>) target(%dma_start3A_36 : memref<3328x16xf32, #tpu.memory_space<hbm>>) target_semaphore(%run_scoped3A : memref<!tpu.dma_semaphore, #tpu.memory_space<semaphore_mem>>)
      %dma_wait3A_37 = arith.constant 0 : i32
      %dma_wait3A_38 = tpu.memref_slice %arg4[%add3A_10, %dma_wait3A_37] : memref<425984x16xf32, #tpu.memory_space<hbm>> -> memref<3328x16xf32, #tpu.memory_space<hbm>>
      %dma_wait3A_39 = arith.constant 0 : i32
      %dma_wait3A_40 = tpu.memref_slice %arg4[%add3A_10, %dma_wait3A_39] : memref<425984x16xf32, #tpu.memory_space<hbm>> -> memref<3328x16xf32, #tpu.memory_space<hbm>>
      tpu.wait_dma2 semaphore(%run_scoped3A : memref<!tpu.dma_semaphore, #tpu.memory_space<semaphore_mem>>) src(%arg6 : memref<3328x16xf32, #tpu.memory_space<vmem>>) dst(%dma_wait3A_40 : memref<3328x16xf32, #tpu.memory_space<hbm>>)
      tpu.yield
    }) : () -> ()
    %add3A_17 = arith.constant 6656 : i32
    %add3A_18 = arith.addi %mul3A_2, %add3A_17 : i32
    "tpu.region"() ({
      %run_scoped3A = tpu.sem_alloc : memref<!tpu.dma_semaphore, #tpu.memory_space<semaphore_mem>>
      %dma_start3A_33 = tpu.memref_slice %arg3[%add3A_18] : memref<425984xi32, #tpu.memory_space<hbm>> -> memref<3328xi32, #tpu.memory_space<hbm>>
      %dma_start3A_34 = tpu.memref_slice %arg3[%add3A_18] : memref<425984xi32, #tpu.memory_space<hbm>> -> memref<3328xi32, #tpu.memory_space<hbm>>
      tpu.enqueue_dma source(%dma_start3A_34 : memref<3328xi32, #tpu.memory_space<hbm>>) target(%arg5 : memref<3328xi32, #tpu.memory_space<vmem>>) target_semaphore(%run_scoped3A : memref<!tpu.dma_semaphore, #tpu.memory_space<semaphore_mem>>)
      %dma_wait3A_35 = tpu.memref_slice %arg3[%add3A_18] : memref<425984xi32, #tpu.memory_space<hbm>> -> memref<3328xi32, #tpu.memory_space<hbm>>
      %dma_wait3A_36 = tpu.memref_slice %arg3[%add3A_18] : memref<425984xi32, #tpu.memory_space<hbm>> -> memref<3328xi32, #tpu.memory_space<hbm>>
      tpu.wait_dma2 semaphore(%run_scoped3A : memref<!tpu.dma_semaphore, #tpu.memory_space<semaphore_mem>>) src(%dma_wait3A_36 : memref<3328xi32, #tpu.memory_space<hbm>>) dst(%arg5 : memref<3328xi32, #tpu.memory_space<vmem>>)
      tpu.yield
    }) : () -> ()
    %dma_start3A_19 = arith.constant 0 : i32
    %dma_start3A_20 = arith.constant 0 : i32
    %dma_start3A_21 = tpu.memref_slice %arg2[%dma_start3A_19, %dma_start3A_20] : memref<2600000x16xf32, #tpu.memory_space<hbm>> -> memref<2600000x16xf32, #tpu.memory_space<hbm>>
    tpu.enqueue_indirect_dma source(%dma_start3A_21 : memref<2600000x16xf32, #tpu.memory_space<hbm>>) target(%arg6 : memref<3328x16xf32, #tpu.memory_space<vmem>>) offsets(%arg5 : memref<3328xi32, #tpu.memory_space<vmem>>) semaphore(%arg7 : memref<!tpu.dma_semaphore, #tpu.memory_space<semaphore_mem>>)
    %dma_wait3A_22 = arith.constant 0 : i32
    %dma_wait3A_23 = arith.constant 0 : i32
    %dma_wait3A_24 = tpu.memref_slice %arg2[%dma_wait3A_22, %dma_wait3A_23] : memref<2600000x16xf32, #tpu.memory_space<hbm>> -> memref<2600000x16xf32, #tpu.memory_space<hbm>>
    tpu.wait_indirect_dma semaphore(%arg7 : memref<!tpu.dma_semaphore, #tpu.memory_space<semaphore_mem>>) src(%dma_wait3A_24 : memref<2600000x16xf32, #tpu.memory_space<hbm>>) dst(%arg6 : memref<3328x16xf32, #tpu.memory_space<vmem>>)
    "tpu.region"() ({
      %run_scoped3A = tpu.sem_alloc : memref<!tpu.dma_semaphore, #tpu.memory_space<semaphore_mem>>
      %dma_start3A_33 = arith.constant 0 : i32
      %dma_start3A_34 = tpu.memref_slice %arg4[%add3A_18, %dma_start3A_33] : memref<425984x16xf32, #tpu.memory_space<hbm>> -> memref<3328x16xf32, #tpu.memory_space<hbm>>
      %dma_start3A_35 = arith.constant 0 : i32
      %dma_start3A_36 = tpu.memref_slice %arg4[%add3A_18, %dma_start3A_35] : memref<425984x16xf32, #tpu.memory_space<hbm>> -> memref<3328x16xf32, #tpu.memory_space<hbm>>
      tpu.enqueue_dma source(%arg6 : memref<3328x16xf32, #tpu.memory_space<vmem>>) target(%dma_start3A_36 : memref<3328x16xf32, #tpu.memory_space<hbm>>) target_semaphore(%run_scoped3A : memref<!tpu.dma_semaphore, #tpu.memory_space<semaphore_mem>>)
      %dma_wait3A_37 = arith.constant 0 : i32
      %dma_wait3A_38 = tpu.memref_slice %arg4[%add3A_18, %dma_wait3A_37] : memref<425984x16xf32, #tpu.memory_space<hbm>> -> memref<3328x16xf32, #tpu.memory_space<hbm>>
      %dma_wait3A_39 = arith.constant 0 : i32
      %dma_wait3A_40 = tpu.memref_slice %arg4[%add3A_18, %dma_wait3A_39] : memref<425984x16xf32, #tpu.memory_space<hbm>> -> memref<3328x16xf32, #tpu.memory_space<hbm>>
      tpu.wait_dma2 semaphore(%run_scoped3A : memref<!tpu.dma_semaphore, #tpu.memory_space<semaphore_mem>>) src(%arg6 : memref<3328x16xf32, #tpu.memory_space<vmem>>) dst(%dma_wait3A_40 : memref<3328x16xf32, #tpu.memory_space<hbm>>)
      tpu.yield
    }) : () -> ()
    %add3A_25 = arith.constant 9984 : i32
    %add3A_26 = arith.addi %mul3A_2, %add3A_25 : i32
    "tpu.region"() ({
      %run_scoped3A = tpu.sem_alloc : memref<!tpu.dma_semaphore, #tpu.memory_space<semaphore_mem>>
      %dma_start3A_33 = tpu.memref_slice %arg3[%add3A_26] : memref<425984xi32, #tpu.memory_space<hbm>> -> memref<3328xi32, #tpu.memory_space<hbm>>
      %dma_start3A_34 = tpu.memref_slice %arg3[%add3A_26] : memref<425984xi32, #tpu.memory_space<hbm>> -> memref<3328xi32, #tpu.memory_space<hbm>>
      tpu.enqueue_dma source(%dma_start3A_34 : memref<3328xi32, #tpu.memory_space<hbm>>) target(%arg5 : memref<3328xi32, #tpu.memory_space<vmem>>) target_semaphore(%run_scoped3A : memref<!tpu.dma_semaphore, #tpu.memory_space<semaphore_mem>>)
      %dma_wait3A_35 = tpu.memref_slice %arg3[%add3A_26] : memref<425984xi32, #tpu.memory_space<hbm>> -> memref<3328xi32, #tpu.memory_space<hbm>>
      %dma_wait3A_36 = tpu.memref_slice %arg3[%add3A_26] : memref<425984xi32, #tpu.memory_space<hbm>> -> memref<3328xi32, #tpu.memory_space<hbm>>
      tpu.wait_dma2 semaphore(%run_scoped3A : memref<!tpu.dma_semaphore, #tpu.memory_space<semaphore_mem>>) src(%dma_wait3A_36 : memref<3328xi32, #tpu.memory_space<hbm>>) dst(%arg5 : memref<3328xi32, #tpu.memory_space<vmem>>)
      tpu.yield
    }) : () -> ()
    %dma_start3A_27 = arith.constant 0 : i32
    %dma_start3A_28 = arith.constant 0 : i32
    %dma_start3A_29 = tpu.memref_slice %arg2[%dma_start3A_27, %dma_start3A_28] : memref<2600000x16xf32, #tpu.memory_space<hbm>> -> memref<2600000x16xf32, #tpu.memory_space<hbm>>
    tpu.enqueue_indirect_dma source(%dma_start3A_29 : memref<2600000x16xf32, #tpu.memory_space<hbm>>) target(%arg6 : memref<3328x16xf32, #tpu.memory_space<vmem>>) offsets(%arg5 : memref<3328xi32, #tpu.memory_space<vmem>>) semaphore(%arg7 : memref<!tpu.dma_semaphore, #tpu.memory_space<semaphore_mem>>)
    %dma_wait3A_30 = arith.constant 0 : i32
    %dma_wait3A_31 = arith.constant 0 : i32
    %dma_wait3A_32 = tpu.memref_slice %arg2[%dma_wait3A_30, %dma_wait3A_31] : memref<2600000x16xf32, #tpu.memory_space<hbm>> -> memref<2600000x16xf32, #tpu.memory_space<hbm>>
    tpu.wait_indirect_dma semaphore(%arg7 : memref<!tpu.dma_semaphore, #tpu.memory_space<semaphore_mem>>) src(%dma_wait3A_32 : memref<2600000x16xf32, #tpu.memory_space<hbm>>) dst(%arg6 : memref<3328x16xf32, #tpu.memory_space<vmem>>)
    "tpu.region"() ({
      %run_scoped3A = tpu.sem_alloc : memref<!tpu.dma_semaphore, #tpu.memory_space<semaphore_mem>>
      %dma_start3A_33 = arith.constant 0 : i32
      %dma_start3A_34 = tpu.memref_slice %arg4[%add3A_26, %dma_start3A_33] : memref<425984x16xf32, #tpu.memory_space<hbm>> -> memref<3328x16xf32, #tpu.memory_space<hbm>>
      %dma_start3A_35 = arith.constant 0 : i32
      %dma_start3A_36 = tpu.memref_slice %arg4[%add3A_26, %dma_start3A_35] : memref<425984x16xf32, #tpu.memory_space<hbm>> -> memref<3328x16xf32, #tpu.memory_space<hbm>>
      tpu.enqueue_dma source(%arg6 : memref<3328x16xf32, #tpu.memory_space<vmem>>) target(%dma_start3A_36 : memref<3328x16xf32, #tpu.memory_space<hbm>>) target_semaphore(%run_scoped3A : memref<!tpu.dma_semaphore, #tpu.memory_space<semaphore_mem>>)
      %dma_wait3A_37 = arith.constant 0 : i32
      %dma_wait3A_38 = tpu.memref_slice %arg4[%add3A_26, %dma_wait3A_37] : memref<425984x16xf32, #tpu.memory_space<hbm>> -> memref<3328x16xf32, #tpu.memory_space<hbm>>
      %dma_wait3A_39 = arith.constant 0 : i32
      %dma_wait3A_40 = tpu.memref_slice %arg4[%add3A_26, %dma_wait3A_39] : memref<425984x16xf32, #tpu.memory_space<hbm>> -> memref<3328x16xf32, #tpu.memory_space<hbm>>
      tpu.wait_dma2 semaphore(%run_scoped3A : memref<!tpu.dma_semaphore, #tpu.memory_space<semaphore_mem>>) src(%arg6 : memref<3328x16xf32, #tpu.memory_space<vmem>>) dst(%dma_wait3A_40 : memref<3328x16xf32, #tpu.memory_space<hbm>>)
      tpu.yield
    }) : () -> ()
    return
  }
}

module attributes {stable_mosaic.version = 14 : i64} {
  func.func @body(%arg0: i32, %arg1: memref<512x416xf32, #tpu.memory_space<vmem>>, %arg2: memref<16x416xf32, #tpu.memory_space<vmem>>, %arg3: memref<416x260xf32, #tpu.memory_space<vmem>>, %arg4: memref<260x26xf32, #tpu.memory_space<vmem>>, %arg5: memref<416x26xf32, #tpu.memory_space<vmem>>, %arg6: memref<1x260xf32, #tpu.memory_space<vmem>>, %arg7: memref<416x1xf32, #tpu.memory_space<vmem>>, %arg8: memref<1x1xf32, #tpu.memory_space<vmem>>, %arg9: memref<512x1xf32, #tpu.memory_space<vmem>>) attributes {dimension_semantics = [#tpu.dimension_semantics<arbitrary>], iteration_bounds = array<i64: 32>, scalar_prefetch = 0 : i64, scratch_operands = 0 : i64, tpu.core_type = #tpu.core_type<tc>, window_params = [{transform_indices = @transform_0, window_bounds = array<i64: 512, 416>}, {pipeline_mode = #tpu.pipeline_mode<synchronous>, transform_indices = @transform_1, window_bounds = array<i64: 16, 416>}, {pipeline_mode = #tpu.pipeline_mode<synchronous>, transform_indices = @transform_2, window_bounds = array<i64: 416, 260>}, {pipeline_mode = #tpu.pipeline_mode<synchronous>, transform_indices = @transform_3, window_bounds = array<i64: 260, 26>}, {pipeline_mode = #tpu.pipeline_mode<synchronous>, transform_indices = @transform_4, window_bounds = array<i64: 416, 26>}, {pipeline_mode = #tpu.pipeline_mode<synchronous>, transform_indices = @transform_5, window_bounds = array<i64: 1, 260>}, {pipeline_mode = #tpu.pipeline_mode<synchronous>, transform_indices = @transform_6, window_bounds = array<i64: 416, 1>}, {pipeline_mode = #tpu.pipeline_mode<synchronous>, transform_indices = @transform_7, window_bounds = array<i64: 1, 1>}, {transform_indices = @transform_8, window_bounds = array<i64: 512, 1>}]} {
    %get3A = arith.constant 0 : index
    %get3A_0 = arith.constant 0 : index
    %get3A_1 = vector.load %arg1[%get3A, %get3A_0] : memref<512x416xf32, #tpu.memory_space<vmem>>, vector<512x416xf32>
    %get3A_2 = arith.constant 0 : index
    %get3A_3 = arith.constant 0 : index
    %get3A_4 = vector.load %arg2[%get3A_2, %get3A_3] : memref<16x416xf32, #tpu.memory_space<vmem>>, vector<16x416xf32>
    %get3A_5 = arith.constant 0 : index
    %get3A_6 = arith.constant 0 : index
    %get3A_7 = vector.load %arg3[%get3A_5, %get3A_6] : memref<416x260xf32, #tpu.memory_space<vmem>>, vector<416x260xf32>
    %get3A_8 = arith.constant 0 : index
    %get3A_9 = arith.constant 0 : index
    %get3A_10 = vector.load %arg4[%get3A_8, %get3A_9] : memref<260x26xf32, #tpu.memory_space<vmem>>, vector<260x26xf32>
    %get3A_11 = arith.constant 0 : index
    %get3A_12 = arith.constant 0 : index
    %get3A_13 = vector.load %arg5[%get3A_11, %get3A_12] : memref<416x26xf32, #tpu.memory_space<vmem>>, vector<416x26xf32>
    %get3A_14 = arith.constant 0 : index
    %get3A_15 = arith.constant 0 : index
    %get3A_16 = vector.load %arg6[%get3A_14, %get3A_15] : memref<1x260xf32, #tpu.memory_space<vmem>>, vector<1x260xf32>
    %iota3A = tpu.iota {dimensions = array<i32: 1>} : vector<1x26xi32>
    %broadcast_in_dim3A = arith.constant 0.000000e+00 : f32
    %broadcast_in_dim3A_17 = vector.broadcast %broadcast_in_dim3A : f32 to vector<512x1xf32>
    %broadcast_in_dim3A_18 = arith.constant 0.000000e+00 : f32
    %broadcast_in_dim3A_19 = vector.broadcast %broadcast_in_dim3A_18 : f32 to vector<512x1xf32>
    %slice3A = vector.extract_strided_slice %get3A_1 {offsets = [0, 0], sizes = [512, 16], strides = [1, 1]} : vector<512x416xf32> to vector<512x16xf32>
    %dot_general3A = arith.constant dense<0.000000e+00> : vector<512x416xf32>
    %dot_general3A_20 = tpu.matmul %slice3A, %get3A_4, %dot_general3A {dimension_numbers = #tpu.dot_dimension_numbers<[1], [0], [0], [1], [0, 0, 1, 1], [], []>, transpose_lhs_hint = false} : vector<512x16xf32>, vector<16x416xf32>, vector<512x416xf32> -> vector<512x416xf32>
    %mul3A = arith.mulf %dot_general3A_20, %get3A_1 : vector<512x416xf32>
    %dot_general3A_21 = arith.constant dense<0.000000e+00> : vector<512x260xf32>
    %dot_general3A_22 = tpu.matmul %mul3A, %get3A_7, %dot_general3A_21 {dimension_numbers = #tpu.dot_dimension_numbers<[1], [0], [0], [1], [0, 0, 1, 1], [], []>, transpose_lhs_hint = false} : vector<512x416xf32>, vector<416x260xf32>, vector<512x260xf32> -> vector<512x260xf32>
    %add3A = vector.broadcast %get3A_16 : vector<1x260xf32> to vector<512x260xf32>
    %add3A_23 = arith.addf %dot_general3A_22, %add3A : vector<512x260xf32>
    %max3A = arith.constant 0.000000e+00 : f32
    %max3A_24 = vector.broadcast %max3A : f32 to vector<512x260xf32>
    %max3A_25 = arith.maximumf %add3A_23, %max3A_24 : vector<512x260xf32>
    %dot_general3A_26 = arith.constant dense<0.000000e+00> : vector<512x26xf32>
    %dot_general3A_27 = tpu.matmul %max3A_25, %get3A_10, %dot_general3A_26 {dimension_numbers = #tpu.dot_dimension_numbers<[1], [0], [0], [1], [0, 0, 1, 1], [], []>, transpose_lhs_hint = false} : vector<512x260xf32>, vector<260x26xf32>, vector<512x26xf32> -> vector<512x26xf32>
    %dot_general3A_28 = arith.constant dense<0.000000e+00> : vector<512x26xf32>
    %dot_general3A_29 = tpu.matmul %mul3A, %get3A_13, %dot_general3A_28 {dimension_numbers = #tpu.dot_dimension_numbers<[1], [0], [0], [1], [0, 0, 1, 1], [], []>, transpose_lhs_hint = false} : vector<512x416xf32>, vector<416x26xf32>, vector<512x26xf32> -> vector<512x26xf32>
    %gt3A = arith.constant 0 : i32
    %gt3A_30 = vector.broadcast %gt3A : i32 to vector<1x26xi32>
    %gt3A_31 = arith.cmpi sgt, %iota3A, %gt3A_30 : vector<1x26xi32>
    %exp3A = math.exp %dot_general3A_27 : vector<512x26xf32>
    %jit3A = arith.constant 0.000000e+00 : f32
    %broadcast_in_dim3A_32 = vector.shape_cast %gt3A_31 : vector<1x26xi1> to vector<1x26xi1>
    %broadcast_in_dim3A_33 = vector.broadcast %broadcast_in_dim3A_32 : vector<1x26xi1> to vector<512x26xi1>
    %broadcast_in_dim3A_34 = vector.broadcast %jit3A : f32 to vector<512x26xf32>
    %select_n3A = arith.select %broadcast_in_dim3A_33, %exp3A, %broadcast_in_dim3A_34 : vector<512x26xi1>, vector<512x26xf32>
    %reduce_sum3A = arith.constant dense<0.000000e+00> : vector<512xf32>
    %reduce_sum3A_35 = vector.multi_reduction <add>, %select_n3A, %reduce_sum3A [1] : vector<512x26xf32> to vector<512xf32>
    %broadcast_in_dim3A_36 = vector.shape_cast %reduce_sum3A_35 : vector<512xf32> to vector<512x1xf32>
    %add3A_37 = arith.addf %broadcast_in_dim3A_17, %broadcast_in_dim3A_36 : vector<512x1xf32>
    %mul3A_38 = arith.mulf %select_n3A, %dot_general3A_29 : vector<512x26xf32>
    %reduce_sum3A_39 = arith.constant dense<0.000000e+00> : vector<512xf32>
    %reduce_sum3A_40 = vector.multi_reduction <add>, %mul3A_38, %reduce_sum3A_39 [1] : vector<512x26xf32> to vector<512xf32>
    %broadcast_in_dim3A_41 = vector.shape_cast %reduce_sum3A_40 : vector<512xf32> to vector<512x1xf32>
    %add3A_42 = arith.addf %broadcast_in_dim3A_19, %broadcast_in_dim3A_41 : vector<512x1xf32>
    %slice3A_43 = vector.extract_strided_slice %get3A_1 {offsets = [0, 16], sizes = [512, 16], strides = [1, 1]} : vector<512x416xf32> to vector<512x16xf32>
    %dot_general3A_44 = arith.constant dense<0.000000e+00> : vector<512x416xf32>
    %dot_general3A_45 = tpu.matmul %slice3A_43, %get3A_4, %dot_general3A_44 {dimension_numbers = #tpu.dot_dimension_numbers<[1], [0], [0], [1], [0, 0, 1, 1], [], []>, transpose_lhs_hint = false} : vector<512x16xf32>, vector<16x416xf32>, vector<512x416xf32> -> vector<512x416xf32>
    %mul3A_46 = arith.mulf %dot_general3A_45, %get3A_1 : vector<512x416xf32>
    %dot_general3A_47 = arith.constant dense<0.000000e+00> : vector<512x260xf32>
    %dot_general3A_48 = tpu.matmul %mul3A_46, %get3A_7, %dot_general3A_47 {dimension_numbers = #tpu.dot_dimension_numbers<[1], [0], [0], [1], [0, 0, 1, 1], [], []>, transpose_lhs_hint = false} : vector<512x416xf32>, vector<416x260xf32>, vector<512x260xf32> -> vector<512x260xf32>
    %add3A_49 = vector.broadcast %get3A_16 : vector<1x260xf32> to vector<512x260xf32>
    %add3A_50 = arith.addf %dot_general3A_48, %add3A_49 : vector<512x260xf32>
    %max3A_51 = arith.constant 0.000000e+00 : f32
    %max3A_52 = vector.broadcast %max3A_51 : f32 to vector<512x260xf32>
    %max3A_53 = arith.maximumf %add3A_50, %max3A_52 : vector<512x260xf32>
    %dot_general3A_54 = arith.constant dense<0.000000e+00> : vector<512x26xf32>
    %dot_general3A_55 = tpu.matmul %max3A_53, %get3A_10, %dot_general3A_54 {dimension_numbers = #tpu.dot_dimension_numbers<[1], [0], [0], [1], [0, 0, 1, 1], [], []>, transpose_lhs_hint = false} : vector<512x260xf32>, vector<260x26xf32>, vector<512x26xf32> -> vector<512x26xf32>
    %dot_general3A_56 = arith.constant dense<0.000000e+00> : vector<512x26xf32>
    %dot_general3A_57 = tpu.matmul %mul3A_46, %get3A_13, %dot_general3A_56 {dimension_numbers = #tpu.dot_dimension_numbers<[1], [0], [0], [1], [0, 0, 1, 1], [], []>, transpose_lhs_hint = false} : vector<512x416xf32>, vector<416x26xf32>, vector<512x26xf32> -> vector<512x26xf32>
    %gt3A_58 = arith.constant 1 : i32
    %gt3A_59 = vector.broadcast %gt3A_58 : i32 to vector<1x26xi32>
    %gt3A_60 = arith.cmpi sgt, %iota3A, %gt3A_59 : vector<1x26xi32>
    %exp3A_61 = math.exp %dot_general3A_55 : vector<512x26xf32>
    %jit3A_62 = arith.constant 0.000000e+00 : f32
    %broadcast_in_dim3A_63 = vector.shape_cast %gt3A_60 : vector<1x26xi1> to vector<1x26xi1>
    %broadcast_in_dim3A_64 = vector.broadcast %broadcast_in_dim3A_63 : vector<1x26xi1> to vector<512x26xi1>
    %broadcast_in_dim3A_65 = vector.broadcast %jit3A_62 : f32 to vector<512x26xf32>
    %select_n3A_66 = arith.select %broadcast_in_dim3A_64, %exp3A_61, %broadcast_in_dim3A_65 : vector<512x26xi1>, vector<512x26xf32>
    %reduce_sum3A_67 = arith.constant dense<0.000000e+00> : vector<512xf32>
    %reduce_sum3A_68 = vector.multi_reduction <add>, %select_n3A_66, %reduce_sum3A_67 [1] : vector<512x26xf32> to vector<512xf32>
    %broadcast_in_dim3A_69 = vector.shape_cast %reduce_sum3A_68 : vector<512xf32> to vector<512x1xf32>
    %add3A_70 = arith.addf %add3A_37, %broadcast_in_dim3A_69 : vector<512x1xf32>
    %mul3A_71 = arith.mulf %select_n3A_66, %dot_general3A_57 : vector<512x26xf32>
    %reduce_sum3A_72 = arith.constant dense<0.000000e+00> : vector<512xf32>
    %reduce_sum3A_73 = vector.multi_reduction <add>, %mul3A_71, %reduce_sum3A_72 [1] : vector<512x26xf32> to vector<512xf32>
    %broadcast_in_dim3A_74 = vector.shape_cast %reduce_sum3A_73 : vector<512xf32> to vector<512x1xf32>
    %add3A_75 = arith.addf %add3A_42, %broadcast_in_dim3A_74 : vector<512x1xf32>
    %slice3A_76 = vector.extract_strided_slice %get3A_1 {offsets = [0, 32], sizes = [512, 16], strides = [1, 1]} : vector<512x416xf32> to vector<512x16xf32>
    %dot_general3A_77 = arith.constant dense<0.000000e+00> : vector<512x416xf32>
    %dot_general3A_78 = tpu.matmul %slice3A_76, %get3A_4, %dot_general3A_77 {dimension_numbers = #tpu.dot_dimension_numbers<[1], [0], [0], [1], [0, 0, 1, 1], [], []>, transpose_lhs_hint = false} : vector<512x16xf32>, vector<16x416xf32>, vector<512x416xf32> -> vector<512x416xf32>
    %mul3A_79 = arith.mulf %dot_general3A_78, %get3A_1 : vector<512x416xf32>
    %dot_general3A_80 = arith.constant dense<0.000000e+00> : vector<512x260xf32>
    %dot_general3A_81 = tpu.matmul %mul3A_79, %get3A_7, %dot_general3A_80 {dimension_numbers = #tpu.dot_dimension_numbers<[1], [0], [0], [1], [0, 0, 1, 1], [], []>, transpose_lhs_hint = false} : vector<512x416xf32>, vector<416x260xf32>, vector<512x260xf32> -> vector<512x260xf32>
    %add3A_82 = vector.broadcast %get3A_16 : vector<1x260xf32> to vector<512x260xf32>
    %add3A_83 = arith.addf %dot_general3A_81, %add3A_82 : vector<512x260xf32>
    %max3A_84 = arith.constant 0.000000e+00 : f32
    %max3A_85 = vector.broadcast %max3A_84 : f32 to vector<512x260xf32>
    %max3A_86 = arith.maximumf %add3A_83, %max3A_85 : vector<512x260xf32>
    %dot_general3A_87 = arith.constant dense<0.000000e+00> : vector<512x26xf32>
    %dot_general3A_88 = tpu.matmul %max3A_86, %get3A_10, %dot_general3A_87 {dimension_numbers = #tpu.dot_dimension_numbers<[1], [0], [0], [1], [0, 0, 1, 1], [], []>, transpose_lhs_hint = false} : vector<512x260xf32>, vector<260x26xf32>, vector<512x26xf32> -> vector<512x26xf32>
    %dot_general3A_89 = arith.constant dense<0.000000e+00> : vector<512x26xf32>
    %dot_general3A_90 = tpu.matmul %mul3A_79, %get3A_13, %dot_general3A_89 {dimension_numbers = #tpu.dot_dimension_numbers<[1], [0], [0], [1], [0, 0, 1, 1], [], []>, transpose_lhs_hint = false} : vector<512x416xf32>, vector<416x26xf32>, vector<512x26xf32> -> vector<512x26xf32>
    %gt3A_91 = arith.constant 2 : i32
    %gt3A_92 = vector.broadcast %gt3A_91 : i32 to vector<1x26xi32>
    %gt3A_93 = arith.cmpi sgt, %iota3A, %gt3A_92 : vector<1x26xi32>
    %exp3A_94 = math.exp %dot_general3A_88 : vector<512x26xf32>
    %jit3A_95 = arith.constant 0.000000e+00 : f32
    %broadcast_in_dim3A_96 = vector.shape_cast %gt3A_93 : vector<1x26xi1> to vector<1x26xi1>
    %broadcast_in_dim3A_97 = vector.broadcast %broadcast_in_dim3A_96 : vector<1x26xi1> to vector<512x26xi1>
    %broadcast_in_dim3A_98 = vector.broadcast %jit3A_95 : f32 to vector<512x26xf32>
    %select_n3A_99 = arith.select %broadcast_in_dim3A_97, %exp3A_94, %broadcast_in_dim3A_98 : vector<512x26xi1>, vector<512x26xf32>
    %reduce_sum3A_100 = arith.constant dense<0.000000e+00> : vector<512xf32>
    %reduce_sum3A_101 = vector.multi_reduction <add>, %select_n3A_99, %reduce_sum3A_100 [1] : vector<512x26xf32> to vector<512xf32>
    %broadcast_in_dim3A_102 = vector.shape_cast %reduce_sum3A_101 : vector<512xf32> to vector<512x1xf32>
    %add3A_103 = arith.addf %add3A_70, %broadcast_in_dim3A_102 : vector<512x1xf32>
    %mul3A_104 = arith.mulf %select_n3A_99, %dot_general3A_90 : vector<512x26xf32>
    %reduce_sum3A_105 = arith.constant dense<0.000000e+00> : vector<512xf32>
    %reduce_sum3A_106 = vector.multi_reduction <add>, %mul3A_104, %reduce_sum3A_105 [1] : vector<512x26xf32> to vector<512xf32>
    %broadcast_in_dim3A_107 = vector.shape_cast %reduce_sum3A_106 : vector<512xf32> to vector<512x1xf32>
    %add3A_108 = arith.addf %add3A_75, %broadcast_in_dim3A_107 : vector<512x1xf32>
    %slice3A_109 = vector.extract_strided_slice %get3A_1 {offsets = [0, 48], sizes = [512, 16], strides = [1, 1]} : vector<512x416xf32> to vector<512x16xf32>
    %dot_general3A_110 = arith.constant dense<0.000000e+00> : vector<512x416xf32>
    %dot_general3A_111 = tpu.matmul %slice3A_109, %get3A_4, %dot_general3A_110 {dimension_numbers = #tpu.dot_dimension_numbers<[1], [0], [0], [1], [0, 0, 1, 1], [], []>, transpose_lhs_hint = false} : vector<512x16xf32>, vector<16x416xf32>, vector<512x416xf32> -> vector<512x416xf32>
    %mul3A_112 = arith.mulf %dot_general3A_111, %get3A_1 : vector<512x416xf32>
    %dot_general3A_113 = arith.constant dense<0.000000e+00> : vector<512x260xf32>
    %dot_general3A_114 = tpu.matmul %mul3A_112, %get3A_7, %dot_general3A_113 {dimension_numbers = #tpu.dot_dimension_numbers<[1], [0], [0], [1], [0, 0, 1, 1], [], []>, transpose_lhs_hint = false} : vector<512x416xf32>, vector<416x260xf32>, vector<512x260xf32> -> vector<512x260xf32>
    %add3A_115 = vector.broadcast %get3A_16 : vector<1x260xf32> to vector<512x260xf32>
    %add3A_116 = arith.addf %dot_general3A_114, %add3A_115 : vector<512x260xf32>
    %max3A_117 = arith.constant 0.000000e+00 : f32
    %max3A_118 = vector.broadcast %max3A_117 : f32 to vector<512x260xf32>
    %max3A_119 = arith.maximumf %add3A_116, %max3A_118 : vector<512x260xf32>
    %dot_general3A_120 = arith.constant dense<0.000000e+00> : vector<512x26xf32>
    %dot_general3A_121 = tpu.matmul %max3A_119, %get3A_10, %dot_general3A_120 {dimension_numbers = #tpu.dot_dimension_numbers<[1], [0], [0], [1], [0, 0, 1, 1], [], []>, transpose_lhs_hint = false} : vector<512x260xf32>, vector<260x26xf32>, vector<512x26xf32> -> vector<512x26xf32>
    %dot_general3A_122 = arith.constant dense<0.000000e+00> : vector<512x26xf32>
    %dot_general3A_123 = tpu.matmul %mul3A_112, %get3A_13, %dot_general3A_122 {dimension_numbers = #tpu.dot_dimension_numbers<[1], [0], [0], [1], [0, 0, 1, 1], [], []>, transpose_lhs_hint = false} : vector<512x416xf32>, vector<416x26xf32>, vector<512x26xf32> -> vector<512x26xf32>
    %gt3A_124 = arith.constant 3 : i32
    %gt3A_125 = vector.broadcast %gt3A_124 : i32 to vector<1x26xi32>
    %gt3A_126 = arith.cmpi sgt, %iota3A, %gt3A_125 : vector<1x26xi32>
    %exp3A_127 = math.exp %dot_general3A_121 : vector<512x26xf32>
    %jit3A_128 = arith.constant 0.000000e+00 : f32
    %broadcast_in_dim3A_129 = vector.shape_cast %gt3A_126 : vector<1x26xi1> to vector<1x26xi1>
    %broadcast_in_dim3A_130 = vector.broadcast %broadcast_in_dim3A_129 : vector<1x26xi1> to vector<512x26xi1>
    %broadcast_in_dim3A_131 = vector.broadcast %jit3A_128 : f32 to vector<512x26xf32>
    %select_n3A_132 = arith.select %broadcast_in_dim3A_130, %exp3A_127, %broadcast_in_dim3A_131 : vector<512x26xi1>, vector<512x26xf32>
    %reduce_sum3A_133 = arith.constant dense<0.000000e+00> : vector<512xf32>
    %reduce_sum3A_134 = vector.multi_reduction <add>, %select_n3A_132, %reduce_sum3A_133 [1] : vector<512x26xf32> to vector<512xf32>
    %broadcast_in_dim3A_135 = vector.shape_cast %reduce_sum3A_134 : vector<512xf32> to vector<512x1xf32>
    %add3A_136 = arith.addf %add3A_103, %broadcast_in_dim3A_135 : vector<512x1xf32>
    %mul3A_137 = arith.mulf %select_n3A_132, %dot_general3A_123 : vector<512x26xf32>
    %reduce_sum3A_138 = arith.constant dense<0.000000e+00> : vector<512xf32>
    %reduce_sum3A_139 = vector.multi_reduction <add>, %mul3A_137, %reduce_sum3A_138 [1] : vector<512x26xf32> to vector<512xf32>
    %broadcast_in_dim3A_140 = vector.shape_cast %reduce_sum3A_139 : vector<512xf32> to vector<512x1xf32>
    %add3A_141 = arith.addf %add3A_108, %broadcast_in_dim3A_140 : vector<512x1xf32>
    %slice3A_142 = vector.extract_strided_slice %get3A_1 {offsets = [0, 64], sizes = [512, 16], strides = [1, 1]} : vector<512x416xf32> to vector<512x16xf32>
    %dot_general3A_143 = arith.constant dense<0.000000e+00> : vector<512x416xf32>
    %dot_general3A_144 = tpu.matmul %slice3A_142, %get3A_4, %dot_general3A_143 {dimension_numbers = #tpu.dot_dimension_numbers<[1], [0], [0], [1], [0, 0, 1, 1], [], []>, transpose_lhs_hint = false} : vector<512x16xf32>, vector<16x416xf32>, vector<512x416xf32> -> vector<512x416xf32>
    %mul3A_145 = arith.mulf %dot_general3A_144, %get3A_1 : vector<512x416xf32>
    %dot_general3A_146 = arith.constant dense<0.000000e+00> : vector<512x260xf32>
    %dot_general3A_147 = tpu.matmul %mul3A_145, %get3A_7, %dot_general3A_146 {dimension_numbers = #tpu.dot_dimension_numbers<[1], [0], [0], [1], [0, 0, 1, 1], [], []>, transpose_lhs_hint = false} : vector<512x416xf32>, vector<416x260xf32>, vector<512x260xf32> -> vector<512x260xf32>
    %add3A_148 = vector.broadcast %get3A_16 : vector<1x260xf32> to vector<512x260xf32>
    %add3A_149 = arith.addf %dot_general3A_147, %add3A_148 : vector<512x260xf32>
    %max3A_150 = arith.constant 0.000000e+00 : f32
    %max3A_151 = vector.broadcast %max3A_150 : f32 to vector<512x260xf32>
    %max3A_152 = arith.maximumf %add3A_149, %max3A_151 : vector<512x260xf32>
    %dot_general3A_153 = arith.constant dense<0.000000e+00> : vector<512x26xf32>
    %dot_general3A_154 = tpu.matmul %max3A_152, %get3A_10, %dot_general3A_153 {dimension_numbers = #tpu.dot_dimension_numbers<[1], [0], [0], [1], [0, 0, 1, 1], [], []>, transpose_lhs_hint = false} : vector<512x260xf32>, vector<260x26xf32>, vector<512x26xf32> -> vector<512x26xf32>
    %dot_general3A_155 = arith.constant dense<0.000000e+00> : vector<512x26xf32>
    %dot_general3A_156 = tpu.matmul %mul3A_145, %get3A_13, %dot_general3A_155 {dimension_numbers = #tpu.dot_dimension_numbers<[1], [0], [0], [1], [0, 0, 1, 1], [], []>, transpose_lhs_hint = false} : vector<512x416xf32>, vector<416x26xf32>, vector<512x26xf32> -> vector<512x26xf32>
    %gt3A_157 = arith.constant 4 : i32
    %gt3A_158 = vector.broadcast %gt3A_157 : i32 to vector<1x26xi32>
    %gt3A_159 = arith.cmpi sgt, %iota3A, %gt3A_158 : vector<1x26xi32>
    %exp3A_160 = math.exp %dot_general3A_154 : vector<512x26xf32>
    %jit3A_161 = arith.constant 0.000000e+00 : f32
    %broadcast_in_dim3A_162 = vector.shape_cast %gt3A_159 : vector<1x26xi1> to vector<1x26xi1>
    %broadcast_in_dim3A_163 = vector.broadcast %broadcast_in_dim3A_162 : vector<1x26xi1> to vector<512x26xi1>
    %broadcast_in_dim3A_164 = vector.broadcast %jit3A_161 : f32 to vector<512x26xf32>
    %select_n3A_165 = arith.select %broadcast_in_dim3A_163, %exp3A_160, %broadcast_in_dim3A_164 : vector<512x26xi1>, vector<512x26xf32>
    %reduce_sum3A_166 = arith.constant dense<0.000000e+00> : vector<512xf32>
    %reduce_sum3A_167 = vector.multi_reduction <add>, %select_n3A_165, %reduce_sum3A_166 [1] : vector<512x26xf32> to vector<512xf32>
    %broadcast_in_dim3A_168 = vector.shape_cast %reduce_sum3A_167 : vector<512xf32> to vector<512x1xf32>
    %add3A_169 = arith.addf %add3A_136, %broadcast_in_dim3A_168 : vector<512x1xf32>
    %mul3A_170 = arith.mulf %select_n3A_165, %dot_general3A_156 : vector<512x26xf32>
    %reduce_sum3A_171 = arith.constant dense<0.000000e+00> : vector<512xf32>
    %reduce_sum3A_172 = vector.multi_reduction <add>, %mul3A_170, %reduce_sum3A_171 [1] : vector<512x26xf32> to vector<512xf32>
    %broadcast_in_dim3A_173 = vector.shape_cast %reduce_sum3A_172 : vector<512xf32> to vector<512x1xf32>
    %add3A_174 = arith.addf %add3A_141, %broadcast_in_dim3A_173 : vector<512x1xf32>
    %slice3A_175 = vector.extract_strided_slice %get3A_1 {offsets = [0, 80], sizes = [512, 16], strides = [1, 1]} : vector<512x416xf32> to vector<512x16xf32>
    %dot_general3A_176 = arith.constant dense<0.000000e+00> : vector<512x416xf32>
    %dot_general3A_177 = tpu.matmul %slice3A_175, %get3A_4, %dot_general3A_176 {dimension_numbers = #tpu.dot_dimension_numbers<[1], [0], [0], [1], [0, 0, 1, 1], [], []>, transpose_lhs_hint = false} : vector<512x16xf32>, vector<16x416xf32>, vector<512x416xf32> -> vector<512x416xf32>
    %mul3A_178 = arith.mulf %dot_general3A_177, %get3A_1 : vector<512x416xf32>
    %dot_general3A_179 = arith.constant dense<0.000000e+00> : vector<512x260xf32>
    %dot_general3A_180 = tpu.matmul %mul3A_178, %get3A_7, %dot_general3A_179 {dimension_numbers = #tpu.dot_dimension_numbers<[1], [0], [0], [1], [0, 0, 1, 1], [], []>, transpose_lhs_hint = false} : vector<512x416xf32>, vector<416x260xf32>, vector<512x260xf32> -> vector<512x260xf32>
    %add3A_181 = vector.broadcast %get3A_16 : vector<1x260xf32> to vector<512x260xf32>
    %add3A_182 = arith.addf %dot_general3A_180, %add3A_181 : vector<512x260xf32>
    %max3A_183 = arith.constant 0.000000e+00 : f32
    %max3A_184 = vector.broadcast %max3A_183 : f32 to vector<512x260xf32>
    %max3A_185 = arith.maximumf %add3A_182, %max3A_184 : vector<512x260xf32>
    %dot_general3A_186 = arith.constant dense<0.000000e+00> : vector<512x26xf32>
    %dot_general3A_187 = tpu.matmul %max3A_185, %get3A_10, %dot_general3A_186 {dimension_numbers = #tpu.dot_dimension_numbers<[1], [0], [0], [1], [0, 0, 1, 1], [], []>, transpose_lhs_hint = false} : vector<512x260xf32>, vector<260x26xf32>, vector<512x26xf32> -> vector<512x26xf32>
    %dot_general3A_188 = arith.constant dense<0.000000e+00> : vector<512x26xf32>
    %dot_general3A_189 = tpu.matmul %mul3A_178, %get3A_13, %dot_general3A_188 {dimension_numbers = #tpu.dot_dimension_numbers<[1], [0], [0], [1], [0, 0, 1, 1], [], []>, transpose_lhs_hint = false} : vector<512x416xf32>, vector<416x26xf32>, vector<512x26xf32> -> vector<512x26xf32>
    %gt3A_190 = arith.constant 5 : i32
    %gt3A_191 = vector.broadcast %gt3A_190 : i32 to vector<1x26xi32>
    %gt3A_192 = arith.cmpi sgt, %iota3A, %gt3A_191 : vector<1x26xi32>
    %exp3A_193 = math.exp %dot_general3A_187 : vector<512x26xf32>
    %jit3A_194 = arith.constant 0.000000e+00 : f32
    %broadcast_in_dim3A_195 = vector.shape_cast %gt3A_192 : vector<1x26xi1> to vector<1x26xi1>
    %broadcast_in_dim3A_196 = vector.broadcast %broadcast_in_dim3A_195 : vector<1x26xi1> to vector<512x26xi1>
    %broadcast_in_dim3A_197 = vector.broadcast %jit3A_194 : f32 to vector<512x26xf32>
    %select_n3A_198 = arith.select %broadcast_in_dim3A_196, %exp3A_193, %broadcast_in_dim3A_197 : vector<512x26xi1>, vector<512x26xf32>
    %reduce_sum3A_199 = arith.constant dense<0.000000e+00> : vector<512xf32>
    %reduce_sum3A_200 = vector.multi_reduction <add>, %select_n3A_198, %reduce_sum3A_199 [1] : vector<512x26xf32> to vector<512xf32>
    %broadcast_in_dim3A_201 = vector.shape_cast %reduce_sum3A_200 : vector<512xf32> to vector<512x1xf32>
    %add3A_202 = arith.addf %add3A_169, %broadcast_in_dim3A_201 : vector<512x1xf32>
    %mul3A_203 = arith.mulf %select_n3A_198, %dot_general3A_189 : vector<512x26xf32>
    %reduce_sum3A_204 = arith.constant dense<0.000000e+00> : vector<512xf32>
    %reduce_sum3A_205 = vector.multi_reduction <add>, %mul3A_203, %reduce_sum3A_204 [1] : vector<512x26xf32> to vector<512xf32>
    %broadcast_in_dim3A_206 = vector.shape_cast %reduce_sum3A_205 : vector<512xf32> to vector<512x1xf32>
    %add3A_207 = arith.addf %add3A_174, %broadcast_in_dim3A_206 : vector<512x1xf32>
    %slice3A_208 = vector.extract_strided_slice %get3A_1 {offsets = [0, 96], sizes = [512, 16], strides = [1, 1]} : vector<512x416xf32> to vector<512x16xf32>
    %dot_general3A_209 = arith.constant dense<0.000000e+00> : vector<512x416xf32>
    %dot_general3A_210 = tpu.matmul %slice3A_208, %get3A_4, %dot_general3A_209 {dimension_numbers = #tpu.dot_dimension_numbers<[1], [0], [0], [1], [0, 0, 1, 1], [], []>, transpose_lhs_hint = false} : vector<512x16xf32>, vector<16x416xf32>, vector<512x416xf32> -> vector<512x416xf32>
    %mul3A_211 = arith.mulf %dot_general3A_210, %get3A_1 : vector<512x416xf32>
    %dot_general3A_212 = arith.constant dense<0.000000e+00> : vector<512x260xf32>
    %dot_general3A_213 = tpu.matmul %mul3A_211, %get3A_7, %dot_general3A_212 {dimension_numbers = #tpu.dot_dimension_numbers<[1], [0], [0], [1], [0, 0, 1, 1], [], []>, transpose_lhs_hint = false} : vector<512x416xf32>, vector<416x260xf32>, vector<512x260xf32> -> vector<512x260xf32>
    %add3A_214 = vector.broadcast %get3A_16 : vector<1x260xf32> to vector<512x260xf32>
    %add3A_215 = arith.addf %dot_general3A_213, %add3A_214 : vector<512x260xf32>
    %max3A_216 = arith.constant 0.000000e+00 : f32
    %max3A_217 = vector.broadcast %max3A_216 : f32 to vector<512x260xf32>
    %max3A_218 = arith.maximumf %add3A_215, %max3A_217 : vector<512x260xf32>
    %dot_general3A_219 = arith.constant dense<0.000000e+00> : vector<512x26xf32>
    %dot_general3A_220 = tpu.matmul %max3A_218, %get3A_10, %dot_general3A_219 {dimension_numbers = #tpu.dot_dimension_numbers<[1], [0], [0], [1], [0, 0, 1, 1], [], []>, transpose_lhs_hint = false} : vector<512x260xf32>, vector<260x26xf32>, vector<512x26xf32> -> vector<512x26xf32>
    %dot_general3A_221 = arith.constant dense<0.000000e+00> : vector<512x26xf32>
    %dot_general3A_222 = tpu.matmul %mul3A_211, %get3A_13, %dot_general3A_221 {dimension_numbers = #tpu.dot_dimension_numbers<[1], [0], [0], [1], [0, 0, 1, 1], [], []>, transpose_lhs_hint = false} : vector<512x416xf32>, vector<416x26xf32>, vector<512x26xf32> -> vector<512x26xf32>
    %gt3A_223 = arith.constant 6 : i32
    %gt3A_224 = vector.broadcast %gt3A_223 : i32 to vector<1x26xi32>
    %gt3A_225 = arith.cmpi sgt, %iota3A, %gt3A_224 : vector<1x26xi32>
    %exp3A_226 = math.exp %dot_general3A_220 : vector<512x26xf32>
    %jit3A_227 = arith.constant 0.000000e+00 : f32
    %broadcast_in_dim3A_228 = vector.shape_cast %gt3A_225 : vector<1x26xi1> to vector<1x26xi1>
    %broadcast_in_dim3A_229 = vector.broadcast %broadcast_in_dim3A_228 : vector<1x26xi1> to vector<512x26xi1>
    %broadcast_in_dim3A_230 = vector.broadcast %jit3A_227 : f32 to vector<512x26xf32>
    %select_n3A_231 = arith.select %broadcast_in_dim3A_229, %exp3A_226, %broadcast_in_dim3A_230 : vector<512x26xi1>, vector<512x26xf32>
    %reduce_sum3A_232 = arith.constant dense<0.000000e+00> : vector<512xf32>
    %reduce_sum3A_233 = vector.multi_reduction <add>, %select_n3A_231, %reduce_sum3A_232 [1] : vector<512x26xf32> to vector<512xf32>
    %broadcast_in_dim3A_234 = vector.shape_cast %reduce_sum3A_233 : vector<512xf32> to vector<512x1xf32>
    %add3A_235 = arith.addf %add3A_202, %broadcast_in_dim3A_234 : vector<512x1xf32>
    %mul3A_236 = arith.mulf %select_n3A_231, %dot_general3A_222 : vector<512x26xf32>
    %reduce_sum3A_237 = arith.constant dense<0.000000e+00> : vector<512xf32>
    %reduce_sum3A_238 = vector.multi_reduction <add>, %mul3A_236, %reduce_sum3A_237 [1] : vector<512x26xf32> to vector<512xf32>
    %broadcast_in_dim3A_239 = vector.shape_cast %reduce_sum3A_238 : vector<512xf32> to vector<512x1xf32>
    %add3A_240 = arith.addf %add3A_207, %broadcast_in_dim3A_239 : vector<512x1xf32>
    %slice3A_241 = vector.extract_strided_slice %get3A_1 {offsets = [0, 112], sizes = [512, 16], strides = [1, 1]} : vector<512x416xf32> to vector<512x16xf32>
    %dot_general3A_242 = arith.constant dense<0.000000e+00> : vector<512x416xf32>
    %dot_general3A_243 = tpu.matmul %slice3A_241, %get3A_4, %dot_general3A_242 {dimension_numbers = #tpu.dot_dimension_numbers<[1], [0], [0], [1], [0, 0, 1, 1], [], []>, transpose_lhs_hint = false} : vector<512x16xf32>, vector<16x416xf32>, vector<512x416xf32> -> vector<512x416xf32>
    %mul3A_244 = arith.mulf %dot_general3A_243, %get3A_1 : vector<512x416xf32>
    %dot_general3A_245 = arith.constant dense<0.000000e+00> : vector<512x260xf32>
    %dot_general3A_246 = tpu.matmul %mul3A_244, %get3A_7, %dot_general3A_245 {dimension_numbers = #tpu.dot_dimension_numbers<[1], [0], [0], [1], [0, 0, 1, 1], [], []>, transpose_lhs_hint = false} : vector<512x416xf32>, vector<416x260xf32>, vector<512x260xf32> -> vector<512x260xf32>
    %add3A_247 = vector.broadcast %get3A_16 : vector<1x260xf32> to vector<512x260xf32>
    %add3A_248 = arith.addf %dot_general3A_246, %add3A_247 : vector<512x260xf32>
    %max3A_249 = arith.constant 0.000000e+00 : f32
    %max3A_250 = vector.broadcast %max3A_249 : f32 to vector<512x260xf32>
    %max3A_251 = arith.maximumf %add3A_248, %max3A_250 : vector<512x260xf32>
    %dot_general3A_252 = arith.constant dense<0.000000e+00> : vector<512x26xf32>
    %dot_general3A_253 = tpu.matmul %max3A_251, %get3A_10, %dot_general3A_252 {dimension_numbers = #tpu.dot_dimension_numbers<[1], [0], [0], [1], [0, 0, 1, 1], [], []>, transpose_lhs_hint = false} : vector<512x260xf32>, vector<260x26xf32>, vector<512x26xf32> -> vector<512x26xf32>
    %dot_general3A_254 = arith.constant dense<0.000000e+00> : vector<512x26xf32>
    %dot_general3A_255 = tpu.matmul %mul3A_244, %get3A_13, %dot_general3A_254 {dimension_numbers = #tpu.dot_dimension_numbers<[1], [0], [0], [1], [0, 0, 1, 1], [], []>, transpose_lhs_hint = false} : vector<512x416xf32>, vector<416x26xf32>, vector<512x26xf32> -> vector<512x26xf32>
    %gt3A_256 = arith.constant 7 : i32
    %gt3A_257 = vector.broadcast %gt3A_256 : i32 to vector<1x26xi32>
    %gt3A_258 = arith.cmpi sgt, %iota3A, %gt3A_257 : vector<1x26xi32>
    %exp3A_259 = math.exp %dot_general3A_253 : vector<512x26xf32>
    %jit3A_260 = arith.constant 0.000000e+00 : f32
    %broadcast_in_dim3A_261 = vector.shape_cast %gt3A_258 : vector<1x26xi1> to vector<1x26xi1>
    %broadcast_in_dim3A_262 = vector.broadcast %broadcast_in_dim3A_261 : vector<1x26xi1> to vector<512x26xi1>
    %broadcast_in_dim3A_263 = vector.broadcast %jit3A_260 : f32 to vector<512x26xf32>
    %select_n3A_264 = arith.select %broadcast_in_dim3A_262, %exp3A_259, %broadcast_in_dim3A_263 : vector<512x26xi1>, vector<512x26xf32>
    %reduce_sum3A_265 = arith.constant dense<0.000000e+00> : vector<512xf32>
    %reduce_sum3A_266 = vector.multi_reduction <add>, %select_n3A_264, %reduce_sum3A_265 [1] : vector<512x26xf32> to vector<512xf32>
    %broadcast_in_dim3A_267 = vector.shape_cast %reduce_sum3A_266 : vector<512xf32> to vector<512x1xf32>
    %add3A_268 = arith.addf %add3A_235, %broadcast_in_dim3A_267 : vector<512x1xf32>
    %mul3A_269 = arith.mulf %select_n3A_264, %dot_general3A_255 : vector<512x26xf32>
    %reduce_sum3A_270 = arith.constant dense<0.000000e+00> : vector<512xf32>
    %reduce_sum3A_271 = vector.multi_reduction <add>, %mul3A_269, %reduce_sum3A_270 [1] : vector<512x26xf32> to vector<512xf32>
    %broadcast_in_dim3A_272 = vector.shape_cast %reduce_sum3A_271 : vector<512xf32> to vector<512x1xf32>
    %add3A_273 = arith.addf %add3A_240, %broadcast_in_dim3A_272 : vector<512x1xf32>
    %slice3A_274 = vector.extract_strided_slice %get3A_1 {offsets = [0, 128], sizes = [512, 16], strides = [1, 1]} : vector<512x416xf32> to vector<512x16xf32>
    %dot_general3A_275 = arith.constant dense<0.000000e+00> : vector<512x416xf32>
    %dot_general3A_276 = tpu.matmul %slice3A_274, %get3A_4, %dot_general3A_275 {dimension_numbers = #tpu.dot_dimension_numbers<[1], [0], [0], [1], [0, 0, 1, 1], [], []>, transpose_lhs_hint = false} : vector<512x16xf32>, vector<16x416xf32>, vector<512x416xf32> -> vector<512x416xf32>
    %mul3A_277 = arith.mulf %dot_general3A_276, %get3A_1 : vector<512x416xf32>
    %dot_general3A_278 = arith.constant dense<0.000000e+00> : vector<512x260xf32>
    %dot_general3A_279 = tpu.matmul %mul3A_277, %get3A_7, %dot_general3A_278 {dimension_numbers = #tpu.dot_dimension_numbers<[1], [0], [0], [1], [0, 0, 1, 1], [], []>, transpose_lhs_hint = false} : vector<512x416xf32>, vector<416x260xf32>, vector<512x260xf32> -> vector<512x260xf32>
    %add3A_280 = vector.broadcast %get3A_16 : vector<1x260xf32> to vector<512x260xf32>
    %add3A_281 = arith.addf %dot_general3A_279, %add3A_280 : vector<512x260xf32>
    %max3A_282 = arith.constant 0.000000e+00 : f32
    %max3A_283 = vector.broadcast %max3A_282 : f32 to vector<512x260xf32>
    %max3A_284 = arith.maximumf %add3A_281, %max3A_283 : vector<512x260xf32>
    %dot_general3A_285 = arith.constant dense<0.000000e+00> : vector<512x26xf32>
    %dot_general3A_286 = tpu.matmul %max3A_284, %get3A_10, %dot_general3A_285 {dimension_numbers = #tpu.dot_dimension_numbers<[1], [0], [0], [1], [0, 0, 1, 1], [], []>, transpose_lhs_hint = false} : vector<512x260xf32>, vector<260x26xf32>, vector<512x26xf32> -> vector<512x26xf32>
    %dot_general3A_287 = arith.constant dense<0.000000e+00> : vector<512x26xf32>
    %dot_general3A_288 = tpu.matmul %mul3A_277, %get3A_13, %dot_general3A_287 {dimension_numbers = #tpu.dot_dimension_numbers<[1], [0], [0], [1], [0, 0, 1, 1], [], []>, transpose_lhs_hint = false} : vector<512x416xf32>, vector<416x26xf32>, vector<512x26xf32> -> vector<512x26xf32>
    %gt3A_289 = arith.constant 8 : i32
    %gt3A_290 = vector.broadcast %gt3A_289 : i32 to vector<1x26xi32>
    %gt3A_291 = arith.cmpi sgt, %iota3A, %gt3A_290 : vector<1x26xi32>
    %exp3A_292 = math.exp %dot_general3A_286 : vector<512x26xf32>
    %jit3A_293 = arith.constant 0.000000e+00 : f32
    %broadcast_in_dim3A_294 = vector.shape_cast %gt3A_291 : vector<1x26xi1> to vector<1x26xi1>
    %broadcast_in_dim3A_295 = vector.broadcast %broadcast_in_dim3A_294 : vector<1x26xi1> to vector<512x26xi1>
    %broadcast_in_dim3A_296 = vector.broadcast %jit3A_293 : f32 to vector<512x26xf32>
    %select_n3A_297 = arith.select %broadcast_in_dim3A_295, %exp3A_292, %broadcast_in_dim3A_296 : vector<512x26xi1>, vector<512x26xf32>
    %reduce_sum3A_298 = arith.constant dense<0.000000e+00> : vector<512xf32>
    %reduce_sum3A_299 = vector.multi_reduction <add>, %select_n3A_297, %reduce_sum3A_298 [1] : vector<512x26xf32> to vector<512xf32>
    %broadcast_in_dim3A_300 = vector.shape_cast %reduce_sum3A_299 : vector<512xf32> to vector<512x1xf32>
    %add3A_301 = arith.addf %add3A_268, %broadcast_in_dim3A_300 : vector<512x1xf32>
    %mul3A_302 = arith.mulf %select_n3A_297, %dot_general3A_288 : vector<512x26xf32>
    %reduce_sum3A_303 = arith.constant dense<0.000000e+00> : vector<512xf32>
    %reduce_sum3A_304 = vector.multi_reduction <add>, %mul3A_302, %reduce_sum3A_303 [1] : vector<512x26xf32> to vector<512xf32>
    %broadcast_in_dim3A_305 = vector.shape_cast %reduce_sum3A_304 : vector<512xf32> to vector<512x1xf32>
    %add3A_306 = arith.addf %add3A_273, %broadcast_in_dim3A_305 : vector<512x1xf32>
    %slice3A_307 = vector.extract_strided_slice %get3A_1 {offsets = [0, 144], sizes = [512, 16], strides = [1, 1]} : vector<512x416xf32> to vector<512x16xf32>
    %dot_general3A_308 = arith.constant dense<0.000000e+00> : vector<512x416xf32>
    %dot_general3A_309 = tpu.matmul %slice3A_307, %get3A_4, %dot_general3A_308 {dimension_numbers = #tpu.dot_dimension_numbers<[1], [0], [0], [1], [0, 0, 1, 1], [], []>, transpose_lhs_hint = false} : vector<512x16xf32>, vector<16x416xf32>, vector<512x416xf32> -> vector<512x416xf32>
    %mul3A_310 = arith.mulf %dot_general3A_309, %get3A_1 : vector<512x416xf32>
    %dot_general3A_311 = arith.constant dense<0.000000e+00> : vector<512x260xf32>
    %dot_general3A_312 = tpu.matmul %mul3A_310, %get3A_7, %dot_general3A_311 {dimension_numbers = #tpu.dot_dimension_numbers<[1], [0], [0], [1], [0, 0, 1, 1], [], []>, transpose_lhs_hint = false} : vector<512x416xf32>, vector<416x260xf32>, vector<512x260xf32> -> vector<512x260xf32>
    %add3A_313 = vector.broadcast %get3A_16 : vector<1x260xf32> to vector<512x260xf32>
    %add3A_314 = arith.addf %dot_general3A_312, %add3A_313 : vector<512x260xf32>
    %max3A_315 = arith.constant 0.000000e+00 : f32
    %max3A_316 = vector.broadcast %max3A_315 : f32 to vector<512x260xf32>
    %max3A_317 = arith.maximumf %add3A_314, %max3A_316 : vector<512x260xf32>
    %dot_general3A_318 = arith.constant dense<0.000000e+00> : vector<512x26xf32>
    %dot_general3A_319 = tpu.matmul %max3A_317, %get3A_10, %dot_general3A_318 {dimension_numbers = #tpu.dot_dimension_numbers<[1], [0], [0], [1], [0, 0, 1, 1], [], []>, transpose_lhs_hint = false} : vector<512x260xf32>, vector<260x26xf32>, vector<512x26xf32> -> vector<512x26xf32>
    %dot_general3A_320 = arith.constant dense<0.000000e+00> : vector<512x26xf32>
    %dot_general3A_321 = tpu.matmul %mul3A_310, %get3A_13, %dot_general3A_320 {dimension_numbers = #tpu.dot_dimension_numbers<[1], [0], [0], [1], [0, 0, 1, 1], [], []>, transpose_lhs_hint = false} : vector<512x416xf32>, vector<416x26xf32>, vector<512x26xf32> -> vector<512x26xf32>
    %gt3A_322 = arith.constant 9 : i32
    %gt3A_323 = vector.broadcast %gt3A_322 : i32 to vector<1x26xi32>
    %gt3A_324 = arith.cmpi sgt, %iota3A, %gt3A_323 : vector<1x26xi32>
    %exp3A_325 = math.exp %dot_general3A_319 : vector<512x26xf32>
    %jit3A_326 = arith.constant 0.000000e+00 : f32
    %broadcast_in_dim3A_327 = vector.shape_cast %gt3A_324 : vector<1x26xi1> to vector<1x26xi1>
    %broadcast_in_dim3A_328 = vector.broadcast %broadcast_in_dim3A_327 : vector<1x26xi1> to vector<512x26xi1>
    %broadcast_in_dim3A_329 = vector.broadcast %jit3A_326 : f32 to vector<512x26xf32>
    %select_n3A_330 = arith.select %broadcast_in_dim3A_328, %exp3A_325, %broadcast_in_dim3A_329 : vector<512x26xi1>, vector<512x26xf32>
    %reduce_sum3A_331 = arith.constant dense<0.000000e+00> : vector<512xf32>
    %reduce_sum3A_332 = vector.multi_reduction <add>, %select_n3A_330, %reduce_sum3A_331 [1] : vector<512x26xf32> to vector<512xf32>
    %broadcast_in_dim3A_333 = vector.shape_cast %reduce_sum3A_332 : vector<512xf32> to vector<512x1xf32>
    %add3A_334 = arith.addf %add3A_301, %broadcast_in_dim3A_333 : vector<512x1xf32>
    %mul3A_335 = arith.mulf %select_n3A_330, %dot_general3A_321 : vector<512x26xf32>
    %reduce_sum3A_336 = arith.constant dense<0.000000e+00> : vector<512xf32>
    %reduce_sum3A_337 = vector.multi_reduction <add>, %mul3A_335, %reduce_sum3A_336 [1] : vector<512x26xf32> to vector<512xf32>
    %broadcast_in_dim3A_338 = vector.shape_cast %reduce_sum3A_337 : vector<512xf32> to vector<512x1xf32>
    %add3A_339 = arith.addf %add3A_306, %broadcast_in_dim3A_338 : vector<512x1xf32>
    %slice3A_340 = vector.extract_strided_slice %get3A_1 {offsets = [0, 160], sizes = [512, 16], strides = [1, 1]} : vector<512x416xf32> to vector<512x16xf32>
    %dot_general3A_341 = arith.constant dense<0.000000e+00> : vector<512x416xf32>
    %dot_general3A_342 = tpu.matmul %slice3A_340, %get3A_4, %dot_general3A_341 {dimension_numbers = #tpu.dot_dimension_numbers<[1], [0], [0], [1], [0, 0, 1, 1], [], []>, transpose_lhs_hint = false} : vector<512x16xf32>, vector<16x416xf32>, vector<512x416xf32> -> vector<512x416xf32>
    %mul3A_343 = arith.mulf %dot_general3A_342, %get3A_1 : vector<512x416xf32>
    %dot_general3A_344 = arith.constant dense<0.000000e+00> : vector<512x260xf32>
    %dot_general3A_345 = tpu.matmul %mul3A_343, %get3A_7, %dot_general3A_344 {dimension_numbers = #tpu.dot_dimension_numbers<[1], [0], [0], [1], [0, 0, 1, 1], [], []>, transpose_lhs_hint = false} : vector<512x416xf32>, vector<416x260xf32>, vector<512x260xf32> -> vector<512x260xf32>
    %add3A_346 = vector.broadcast %get3A_16 : vector<1x260xf32> to vector<512x260xf32>
    %add3A_347 = arith.addf %dot_general3A_345, %add3A_346 : vector<512x260xf32>
    %max3A_348 = arith.constant 0.000000e+00 : f32
    %max3A_349 = vector.broadcast %max3A_348 : f32 to vector<512x260xf32>
    %max3A_350 = arith.maximumf %add3A_347, %max3A_349 : vector<512x260xf32>
    %dot_general3A_351 = arith.constant dense<0.000000e+00> : vector<512x26xf32>
    %dot_general3A_352 = tpu.matmul %max3A_350, %get3A_10, %dot_general3A_351 {dimension_numbers = #tpu.dot_dimension_numbers<[1], [0], [0], [1], [0, 0, 1, 1], [], []>, transpose_lhs_hint = false} : vector<512x260xf32>, vector<260x26xf32>, vector<512x26xf32> -> vector<512x26xf32>
    %dot_general3A_353 = arith.constant dense<0.000000e+00> : vector<512x26xf32>
    %dot_general3A_354 = tpu.matmul %mul3A_343, %get3A_13, %dot_general3A_353 {dimension_numbers = #tpu.dot_dimension_numbers<[1], [0], [0], [1], [0, 0, 1, 1], [], []>, transpose_lhs_hint = false} : vector<512x416xf32>, vector<416x26xf32>, vector<512x26xf32> -> vector<512x26xf32>
    %gt3A_355 = arith.constant 10 : i32
    %gt3A_356 = vector.broadcast %gt3A_355 : i32 to vector<1x26xi32>
    %gt3A_357 = arith.cmpi sgt, %iota3A, %gt3A_356 : vector<1x26xi32>
    %exp3A_358 = math.exp %dot_general3A_352 : vector<512x26xf32>
    %jit3A_359 = arith.constant 0.000000e+00 : f32
    %broadcast_in_dim3A_360 = vector.shape_cast %gt3A_357 : vector<1x26xi1> to vector<1x26xi1>
    %broadcast_in_dim3A_361 = vector.broadcast %broadcast_in_dim3A_360 : vector<1x26xi1> to vector<512x26xi1>
    %broadcast_in_dim3A_362 = vector.broadcast %jit3A_359 : f32 to vector<512x26xf32>
    %select_n3A_363 = arith.select %broadcast_in_dim3A_361, %exp3A_358, %broadcast_in_dim3A_362 : vector<512x26xi1>, vector<512x26xf32>
    %reduce_sum3A_364 = arith.constant dense<0.000000e+00> : vector<512xf32>
    %reduce_sum3A_365 = vector.multi_reduction <add>, %select_n3A_363, %reduce_sum3A_364 [1] : vector<512x26xf32> to vector<512xf32>
    %broadcast_in_dim3A_366 = vector.shape_cast %reduce_sum3A_365 : vector<512xf32> to vector<512x1xf32>
    %add3A_367 = arith.addf %add3A_334, %broadcast_in_dim3A_366 : vector<512x1xf32>
    %mul3A_368 = arith.mulf %select_n3A_363, %dot_general3A_354 : vector<512x26xf32>
    %reduce_sum3A_369 = arith.constant dense<0.000000e+00> : vector<512xf32>
    %reduce_sum3A_370 = vector.multi_reduction <add>, %mul3A_368, %reduce_sum3A_369 [1] : vector<512x26xf32> to vector<512xf32>
    %broadcast_in_dim3A_371 = vector.shape_cast %reduce_sum3A_370 : vector<512xf32> to vector<512x1xf32>
    %add3A_372 = arith.addf %add3A_339, %broadcast_in_dim3A_371 : vector<512x1xf32>
    %slice3A_373 = vector.extract_strided_slice %get3A_1 {offsets = [0, 176], sizes = [512, 16], strides = [1, 1]} : vector<512x416xf32> to vector<512x16xf32>
    %dot_general3A_374 = arith.constant dense<0.000000e+00> : vector<512x416xf32>
    %dot_general3A_375 = tpu.matmul %slice3A_373, %get3A_4, %dot_general3A_374 {dimension_numbers = #tpu.dot_dimension_numbers<[1], [0], [0], [1], [0, 0, 1, 1], [], []>, transpose_lhs_hint = false} : vector<512x16xf32>, vector<16x416xf32>, vector<512x416xf32> -> vector<512x416xf32>
    %mul3A_376 = arith.mulf %dot_general3A_375, %get3A_1 : vector<512x416xf32>
    %dot_general3A_377 = arith.constant dense<0.000000e+00> : vector<512x260xf32>
    %dot_general3A_378 = tpu.matmul %mul3A_376, %get3A_7, %dot_general3A_377 {dimension_numbers = #tpu.dot_dimension_numbers<[1], [0], [0], [1], [0, 0, 1, 1], [], []>, transpose_lhs_hint = false} : vector<512x416xf32>, vector<416x260xf32>, vector<512x260xf32> -> vector<512x260xf32>
    %add3A_379 = vector.broadcast %get3A_16 : vector<1x260xf32> to vector<512x260xf32>
    %add3A_380 = arith.addf %dot_general3A_378, %add3A_379 : vector<512x260xf32>
    %max3A_381 = arith.constant 0.000000e+00 : f32
    %max3A_382 = vector.broadcast %max3A_381 : f32 to vector<512x260xf32>
    %max3A_383 = arith.maximumf %add3A_380, %max3A_382 : vector<512x260xf32>
    %dot_general3A_384 = arith.constant dense<0.000000e+00> : vector<512x26xf32>
    %dot_general3A_385 = tpu.matmul %max3A_383, %get3A_10, %dot_general3A_384 {dimension_numbers = #tpu.dot_dimension_numbers<[1], [0], [0], [1], [0, 0, 1, 1], [], []>, transpose_lhs_hint = false} : vector<512x260xf32>, vector<260x26xf32>, vector<512x26xf32> -> vector<512x26xf32>
    %dot_general3A_386 = arith.constant dense<0.000000e+00> : vector<512x26xf32>
    %dot_general3A_387 = tpu.matmul %mul3A_376, %get3A_13, %dot_general3A_386 {dimension_numbers = #tpu.dot_dimension_numbers<[1], [0], [0], [1], [0, 0, 1, 1], [], []>, transpose_lhs_hint = false} : vector<512x416xf32>, vector<416x26xf32>, vector<512x26xf32> -> vector<512x26xf32>
    %gt3A_388 = arith.constant 11 : i32
    %gt3A_389 = vector.broadcast %gt3A_388 : i32 to vector<1x26xi32>
    %gt3A_390 = arith.cmpi sgt, %iota3A, %gt3A_389 : vector<1x26xi32>
    %exp3A_391 = math.exp %dot_general3A_385 : vector<512x26xf32>
    %jit3A_392 = arith.constant 0.000000e+00 : f32
    %broadcast_in_dim3A_393 = vector.shape_cast %gt3A_390 : vector<1x26xi1> to vector<1x26xi1>
    %broadcast_in_dim3A_394 = vector.broadcast %broadcast_in_dim3A_393 : vector<1x26xi1> to vector<512x26xi1>
    %broadcast_in_dim3A_395 = vector.broadcast %jit3A_392 : f32 to vector<512x26xf32>
    %select_n3A_396 = arith.select %broadcast_in_dim3A_394, %exp3A_391, %broadcast_in_dim3A_395 : vector<512x26xi1>, vector<512x26xf32>
    %reduce_sum3A_397 = arith.constant dense<0.000000e+00> : vector<512xf32>
    %reduce_sum3A_398 = vector.multi_reduction <add>, %select_n3A_396, %reduce_sum3A_397 [1] : vector<512x26xf32> to vector<512xf32>
    %broadcast_in_dim3A_399 = vector.shape_cast %reduce_sum3A_398 : vector<512xf32> to vector<512x1xf32>
    %add3A_400 = arith.addf %add3A_367, %broadcast_in_dim3A_399 : vector<512x1xf32>
    %mul3A_401 = arith.mulf %select_n3A_396, %dot_general3A_387 : vector<512x26xf32>
    %reduce_sum3A_402 = arith.constant dense<0.000000e+00> : vector<512xf32>
    %reduce_sum3A_403 = vector.multi_reduction <add>, %mul3A_401, %reduce_sum3A_402 [1] : vector<512x26xf32> to vector<512xf32>
    %broadcast_in_dim3A_404 = vector.shape_cast %reduce_sum3A_403 : vector<512xf32> to vector<512x1xf32>
    %add3A_405 = arith.addf %add3A_372, %broadcast_in_dim3A_404 : vector<512x1xf32>
    %slice3A_406 = vector.extract_strided_slice %get3A_1 {offsets = [0, 192], sizes = [512, 16], strides = [1, 1]} : vector<512x416xf32> to vector<512x16xf32>
    %dot_general3A_407 = arith.constant dense<0.000000e+00> : vector<512x416xf32>
    %dot_general3A_408 = tpu.matmul %slice3A_406, %get3A_4, %dot_general3A_407 {dimension_numbers = #tpu.dot_dimension_numbers<[1], [0], [0], [1], [0, 0, 1, 1], [], []>, transpose_lhs_hint = false} : vector<512x16xf32>, vector<16x416xf32>, vector<512x416xf32> -> vector<512x416xf32>
    %mul3A_409 = arith.mulf %dot_general3A_408, %get3A_1 : vector<512x416xf32>
    %dot_general3A_410 = arith.constant dense<0.000000e+00> : vector<512x260xf32>
    %dot_general3A_411 = tpu.matmul %mul3A_409, %get3A_7, %dot_general3A_410 {dimension_numbers = #tpu.dot_dimension_numbers<[1], [0], [0], [1], [0, 0, 1, 1], [], []>, transpose_lhs_hint = false} : vector<512x416xf32>, vector<416x260xf32>, vector<512x260xf32> -> vector<512x260xf32>
    %add3A_412 = vector.broadcast %get3A_16 : vector<1x260xf32> to vector<512x260xf32>
    %add3A_413 = arith.addf %dot_general3A_411, %add3A_412 : vector<512x260xf32>
    %max3A_414 = arith.constant 0.000000e+00 : f32
    %max3A_415 = vector.broadcast %max3A_414 : f32 to vector<512x260xf32>
    %max3A_416 = arith.maximumf %add3A_413, %max3A_415 : vector<512x260xf32>
    %dot_general3A_417 = arith.constant dense<0.000000e+00> : vector<512x26xf32>
    %dot_general3A_418 = tpu.matmul %max3A_416, %get3A_10, %dot_general3A_417 {dimension_numbers = #tpu.dot_dimension_numbers<[1], [0], [0], [1], [0, 0, 1, 1], [], []>, transpose_lhs_hint = false} : vector<512x260xf32>, vector<260x26xf32>, vector<512x26xf32> -> vector<512x26xf32>
    %dot_general3A_419 = arith.constant dense<0.000000e+00> : vector<512x26xf32>
    %dot_general3A_420 = tpu.matmul %mul3A_409, %get3A_13, %dot_general3A_419 {dimension_numbers = #tpu.dot_dimension_numbers<[1], [0], [0], [1], [0, 0, 1, 1], [], []>, transpose_lhs_hint = false} : vector<512x416xf32>, vector<416x26xf32>, vector<512x26xf32> -> vector<512x26xf32>
    %gt3A_421 = arith.constant 12 : i32
    %gt3A_422 = vector.broadcast %gt3A_421 : i32 to vector<1x26xi32>
    %gt3A_423 = arith.cmpi sgt, %iota3A, %gt3A_422 : vector<1x26xi32>
    %exp3A_424 = math.exp %dot_general3A_418 : vector<512x26xf32>
    %jit3A_425 = arith.constant 0.000000e+00 : f32
    %broadcast_in_dim3A_426 = vector.shape_cast %gt3A_423 : vector<1x26xi1> to vector<1x26xi1>
    %broadcast_in_dim3A_427 = vector.broadcast %broadcast_in_dim3A_426 : vector<1x26xi1> to vector<512x26xi1>
    %broadcast_in_dim3A_428 = vector.broadcast %jit3A_425 : f32 to vector<512x26xf32>
    %select_n3A_429 = arith.select %broadcast_in_dim3A_427, %exp3A_424, %broadcast_in_dim3A_428 : vector<512x26xi1>, vector<512x26xf32>
    %reduce_sum3A_430 = arith.constant dense<0.000000e+00> : vector<512xf32>
    %reduce_sum3A_431 = vector.multi_reduction <add>, %select_n3A_429, %reduce_sum3A_430 [1] : vector<512x26xf32> to vector<512xf32>
    %broadcast_in_dim3A_432 = vector.shape_cast %reduce_sum3A_431 : vector<512xf32> to vector<512x1xf32>
    %add3A_433 = arith.addf %add3A_400, %broadcast_in_dim3A_432 : vector<512x1xf32>
    %mul3A_434 = arith.mulf %select_n3A_429, %dot_general3A_420 : vector<512x26xf32>
    %reduce_sum3A_435 = arith.constant dense<0.000000e+00> : vector<512xf32>
    %reduce_sum3A_436 = vector.multi_reduction <add>, %mul3A_434, %reduce_sum3A_435 [1] : vector<512x26xf32> to vector<512xf32>
    %broadcast_in_dim3A_437 = vector.shape_cast %reduce_sum3A_436 : vector<512xf32> to vector<512x1xf32>
    %add3A_438 = arith.addf %add3A_405, %broadcast_in_dim3A_437 : vector<512x1xf32>
    %slice3A_439 = vector.extract_strided_slice %get3A_1 {offsets = [0, 208], sizes = [512, 16], strides = [1, 1]} : vector<512x416xf32> to vector<512x16xf32>
    %dot_general3A_440 = arith.constant dense<0.000000e+00> : vector<512x416xf32>
    %dot_general3A_441 = tpu.matmul %slice3A_439, %get3A_4, %dot_general3A_440 {dimension_numbers = #tpu.dot_dimension_numbers<[1], [0], [0], [1], [0, 0, 1, 1], [], []>, transpose_lhs_hint = false} : vector<512x16xf32>, vector<16x416xf32>, vector<512x416xf32> -> vector<512x416xf32>
    %mul3A_442 = arith.mulf %dot_general3A_441, %get3A_1 : vector<512x416xf32>
    %dot_general3A_443 = arith.constant dense<0.000000e+00> : vector<512x260xf32>
    %dot_general3A_444 = tpu.matmul %mul3A_442, %get3A_7, %dot_general3A_443 {dimension_numbers = #tpu.dot_dimension_numbers<[1], [0], [0], [1], [0, 0, 1, 1], [], []>, transpose_lhs_hint = false} : vector<512x416xf32>, vector<416x260xf32>, vector<512x260xf32> -> vector<512x260xf32>
    %add3A_445 = vector.broadcast %get3A_16 : vector<1x260xf32> to vector<512x260xf32>
    %add3A_446 = arith.addf %dot_general3A_444, %add3A_445 : vector<512x260xf32>
    %max3A_447 = arith.constant 0.000000e+00 : f32
    %max3A_448 = vector.broadcast %max3A_447 : f32 to vector<512x260xf32>
    %max3A_449 = arith.maximumf %add3A_446, %max3A_448 : vector<512x260xf32>
    %dot_general3A_450 = arith.constant dense<0.000000e+00> : vector<512x26xf32>
    %dot_general3A_451 = tpu.matmul %max3A_449, %get3A_10, %dot_general3A_450 {dimension_numbers = #tpu.dot_dimension_numbers<[1], [0], [0], [1], [0, 0, 1, 1], [], []>, transpose_lhs_hint = false} : vector<512x260xf32>, vector<260x26xf32>, vector<512x26xf32> -> vector<512x26xf32>
    %dot_general3A_452 = arith.constant dense<0.000000e+00> : vector<512x26xf32>
    %dot_general3A_453 = tpu.matmul %mul3A_442, %get3A_13, %dot_general3A_452 {dimension_numbers = #tpu.dot_dimension_numbers<[1], [0], [0], [1], [0, 0, 1, 1], [], []>, transpose_lhs_hint = false} : vector<512x416xf32>, vector<416x26xf32>, vector<512x26xf32> -> vector<512x26xf32>
    %gt3A_454 = arith.constant 13 : i32
    %gt3A_455 = vector.broadcast %gt3A_454 : i32 to vector<1x26xi32>
    %gt3A_456 = arith.cmpi sgt, %iota3A, %gt3A_455 : vector<1x26xi32>
    %exp3A_457 = math.exp %dot_general3A_451 : vector<512x26xf32>
    %jit3A_458 = arith.constant 0.000000e+00 : f32
    %broadcast_in_dim3A_459 = vector.shape_cast %gt3A_456 : vector<1x26xi1> to vector<1x26xi1>
    %broadcast_in_dim3A_460 = vector.broadcast %broadcast_in_dim3A_459 : vector<1x26xi1> to vector<512x26xi1>
    %broadcast_in_dim3A_461 = vector.broadcast %jit3A_458 : f32 to vector<512x26xf32>
    %select_n3A_462 = arith.select %broadcast_in_dim3A_460, %exp3A_457, %broadcast_in_dim3A_461 : vector<512x26xi1>, vector<512x26xf32>
    %reduce_sum3A_463 = arith.constant dense<0.000000e+00> : vector<512xf32>
    %reduce_sum3A_464 = vector.multi_reduction <add>, %select_n3A_462, %reduce_sum3A_463 [1] : vector<512x26xf32> to vector<512xf32>
    %broadcast_in_dim3A_465 = vector.shape_cast %reduce_sum3A_464 : vector<512xf32> to vector<512x1xf32>
    %add3A_466 = arith.addf %add3A_433, %broadcast_in_dim3A_465 : vector<512x1xf32>
    %mul3A_467 = arith.mulf %select_n3A_462, %dot_general3A_453 : vector<512x26xf32>
    %reduce_sum3A_468 = arith.constant dense<0.000000e+00> : vector<512xf32>
    %reduce_sum3A_469 = vector.multi_reduction <add>, %mul3A_467, %reduce_sum3A_468 [1] : vector<512x26xf32> to vector<512xf32>
    %broadcast_in_dim3A_470 = vector.shape_cast %reduce_sum3A_469 : vector<512xf32> to vector<512x1xf32>
    %add3A_471 = arith.addf %add3A_438, %broadcast_in_dim3A_470 : vector<512x1xf32>
    %slice3A_472 = vector.extract_strided_slice %get3A_1 {offsets = [0, 224], sizes = [512, 16], strides = [1, 1]} : vector<512x416xf32> to vector<512x16xf32>
    %dot_general3A_473 = arith.constant dense<0.000000e+00> : vector<512x416xf32>
    %dot_general3A_474 = tpu.matmul %slice3A_472, %get3A_4, %dot_general3A_473 {dimension_numbers = #tpu.dot_dimension_numbers<[1], [0], [0], [1], [0, 0, 1, 1], [], []>, transpose_lhs_hint = false} : vector<512x16xf32>, vector<16x416xf32>, vector<512x416xf32> -> vector<512x416xf32>
    %mul3A_475 = arith.mulf %dot_general3A_474, %get3A_1 : vector<512x416xf32>
    %dot_general3A_476 = arith.constant dense<0.000000e+00> : vector<512x260xf32>
    %dot_general3A_477 = tpu.matmul %mul3A_475, %get3A_7, %dot_general3A_476 {dimension_numbers = #tpu.dot_dimension_numbers<[1], [0], [0], [1], [0, 0, 1, 1], [], []>, transpose_lhs_hint = false} : vector<512x416xf32>, vector<416x260xf32>, vector<512x260xf32> -> vector<512x260xf32>
    %add3A_478 = vector.broadcast %get3A_16 : vector<1x260xf32> to vector<512x260xf32>
    %add3A_479 = arith.addf %dot_general3A_477, %add3A_478 : vector<512x260xf32>
    %max3A_480 = arith.constant 0.000000e+00 : f32
    %max3A_481 = vector.broadcast %max3A_480 : f32 to vector<512x260xf32>
    %max3A_482 = arith.maximumf %add3A_479, %max3A_481 : vector<512x260xf32>
    %dot_general3A_483 = arith.constant dense<0.000000e+00> : vector<512x26xf32>
    %dot_general3A_484 = tpu.matmul %max3A_482, %get3A_10, %dot_general3A_483 {dimension_numbers = #tpu.dot_dimension_numbers<[1], [0], [0], [1], [0, 0, 1, 1], [], []>, transpose_lhs_hint = false} : vector<512x260xf32>, vector<260x26xf32>, vector<512x26xf32> -> vector<512x26xf32>
    %dot_general3A_485 = arith.constant dense<0.000000e+00> : vector<512x26xf32>
    %dot_general3A_486 = tpu.matmul %mul3A_475, %get3A_13, %dot_general3A_485 {dimension_numbers = #tpu.dot_dimension_numbers<[1], [0], [0], [1], [0, 0, 1, 1], [], []>, transpose_lhs_hint = false} : vector<512x416xf32>, vector<416x26xf32>, vector<512x26xf32> -> vector<512x26xf32>
    %gt3A_487 = arith.constant 14 : i32
    %gt3A_488 = vector.broadcast %gt3A_487 : i32 to vector<1x26xi32>
    %gt3A_489 = arith.cmpi sgt, %iota3A, %gt3A_488 : vector<1x26xi32>
    %exp3A_490 = math.exp %dot_general3A_484 : vector<512x26xf32>
    %jit3A_491 = arith.constant 0.000000e+00 : f32
    %broadcast_in_dim3A_492 = vector.shape_cast %gt3A_489 : vector<1x26xi1> to vector<1x26xi1>
    %broadcast_in_dim3A_493 = vector.broadcast %broadcast_in_dim3A_492 : vector<1x26xi1> to vector<512x26xi1>
    %broadcast_in_dim3A_494 = vector.broadcast %jit3A_491 : f32 to vector<512x26xf32>
    %select_n3A_495 = arith.select %broadcast_in_dim3A_493, %exp3A_490, %broadcast_in_dim3A_494 : vector<512x26xi1>, vector<512x26xf32>
    %reduce_sum3A_496 = arith.constant dense<0.000000e+00> : vector<512xf32>
    %reduce_sum3A_497 = vector.multi_reduction <add>, %select_n3A_495, %reduce_sum3A_496 [1] : vector<512x26xf32> to vector<512xf32>
    %broadcast_in_dim3A_498 = vector.shape_cast %reduce_sum3A_497 : vector<512xf32> to vector<512x1xf32>
    %add3A_499 = arith.addf %add3A_466, %broadcast_in_dim3A_498 : vector<512x1xf32>
    %mul3A_500 = arith.mulf %select_n3A_495, %dot_general3A_486 : vector<512x26xf32>
    %reduce_sum3A_501 = arith.constant dense<0.000000e+00> : vector<512xf32>
    %reduce_sum3A_502 = vector.multi_reduction <add>, %mul3A_500, %reduce_sum3A_501 [1] : vector<512x26xf32> to vector<512xf32>
    %broadcast_in_dim3A_503 = vector.shape_cast %reduce_sum3A_502 : vector<512xf32> to vector<512x1xf32>
    %add3A_504 = arith.addf %add3A_471, %broadcast_in_dim3A_503 : vector<512x1xf32>
    %slice3A_505 = vector.extract_strided_slice %get3A_1 {offsets = [0, 240], sizes = [512, 16], strides = [1, 1]} : vector<512x416xf32> to vector<512x16xf32>
    %dot_general3A_506 = arith.constant dense<0.000000e+00> : vector<512x416xf32>
    %dot_general3A_507 = tpu.matmul %slice3A_505, %get3A_4, %dot_general3A_506 {dimension_numbers = #tpu.dot_dimension_numbers<[1], [0], [0], [1], [0, 0, 1, 1], [], []>, transpose_lhs_hint = false} : vector<512x16xf32>, vector<16x416xf32>, vector<512x416xf32> -> vector<512x416xf32>
    %mul3A_508 = arith.mulf %dot_general3A_507, %get3A_1 : vector<512x416xf32>
    %dot_general3A_509 = arith.constant dense<0.000000e+00> : vector<512x260xf32>
    %dot_general3A_510 = tpu.matmul %mul3A_508, %get3A_7, %dot_general3A_509 {dimension_numbers = #tpu.dot_dimension_numbers<[1], [0], [0], [1], [0, 0, 1, 1], [], []>, transpose_lhs_hint = false} : vector<512x416xf32>, vector<416x260xf32>, vector<512x260xf32> -> vector<512x260xf32>
    %add3A_511 = vector.broadcast %get3A_16 : vector<1x260xf32> to vector<512x260xf32>
    %add3A_512 = arith.addf %dot_general3A_510, %add3A_511 : vector<512x260xf32>
    %max3A_513 = arith.constant 0.000000e+00 : f32
    %max3A_514 = vector.broadcast %max3A_513 : f32 to vector<512x260xf32>
    %max3A_515 = arith.maximumf %add3A_512, %max3A_514 : vector<512x260xf32>
    %dot_general3A_516 = arith.constant dense<0.000000e+00> : vector<512x26xf32>
    %dot_general3A_517 = tpu.matmul %max3A_515, %get3A_10, %dot_general3A_516 {dimension_numbers = #tpu.dot_dimension_numbers<[1], [0], [0], [1], [0, 0, 1, 1], [], []>, transpose_lhs_hint = false} : vector<512x260xf32>, vector<260x26xf32>, vector<512x26xf32> -> vector<512x26xf32>
    %dot_general3A_518 = arith.constant dense<0.000000e+00> : vector<512x26xf32>
    %dot_general3A_519 = tpu.matmul %mul3A_508, %get3A_13, %dot_general3A_518 {dimension_numbers = #tpu.dot_dimension_numbers<[1], [0], [0], [1], [0, 0, 1, 1], [], []>, transpose_lhs_hint = false} : vector<512x416xf32>, vector<416x26xf32>, vector<512x26xf32> -> vector<512x26xf32>
    %gt3A_520 = arith.constant 15 : i32
    %gt3A_521 = vector.broadcast %gt3A_520 : i32 to vector<1x26xi32>
    %gt3A_522 = arith.cmpi sgt, %iota3A, %gt3A_521 : vector<1x26xi32>
    %exp3A_523 = math.exp %dot_general3A_517 : vector<512x26xf32>
    %jit3A_524 = arith.constant 0.000000e+00 : f32
    %broadcast_in_dim3A_525 = vector.shape_cast %gt3A_522 : vector<1x26xi1> to vector<1x26xi1>
    %broadcast_in_dim3A_526 = vector.broadcast %broadcast_in_dim3A_525 : vector<1x26xi1> to vector<512x26xi1>
    %broadcast_in_dim3A_527 = vector.broadcast %jit3A_524 : f32 to vector<512x26xf32>
    %select_n3A_528 = arith.select %broadcast_in_dim3A_526, %exp3A_523, %broadcast_in_dim3A_527 : vector<512x26xi1>, vector<512x26xf32>
    %reduce_sum3A_529 = arith.constant dense<0.000000e+00> : vector<512xf32>
    %reduce_sum3A_530 = vector.multi_reduction <add>, %select_n3A_528, %reduce_sum3A_529 [1] : vector<512x26xf32> to vector<512xf32>
    %broadcast_in_dim3A_531 = vector.shape_cast %reduce_sum3A_530 : vector<512xf32> to vector<512x1xf32>
    %add3A_532 = arith.addf %add3A_499, %broadcast_in_dim3A_531 : vector<512x1xf32>
    %mul3A_533 = arith.mulf %select_n3A_528, %dot_general3A_519 : vector<512x26xf32>
    %reduce_sum3A_534 = arith.constant dense<0.000000e+00> : vector<512xf32>
    %reduce_sum3A_535 = vector.multi_reduction <add>, %mul3A_533, %reduce_sum3A_534 [1] : vector<512x26xf32> to vector<512xf32>
    %broadcast_in_dim3A_536 = vector.shape_cast %reduce_sum3A_535 : vector<512xf32> to vector<512x1xf32>
    %add3A_537 = arith.addf %add3A_504, %broadcast_in_dim3A_536 : vector<512x1xf32>
    %slice3A_538 = vector.extract_strided_slice %get3A_1 {offsets = [0, 256], sizes = [512, 16], strides = [1, 1]} : vector<512x416xf32> to vector<512x16xf32>
    %dot_general3A_539 = arith.constant dense<0.000000e+00> : vector<512x416xf32>
    %dot_general3A_540 = tpu.matmul %slice3A_538, %get3A_4, %dot_general3A_539 {dimension_numbers = #tpu.dot_dimension_numbers<[1], [0], [0], [1], [0, 0, 1, 1], [], []>, transpose_lhs_hint = false} : vector<512x16xf32>, vector<16x416xf32>, vector<512x416xf32> -> vector<512x416xf32>
    %mul3A_541 = arith.mulf %dot_general3A_540, %get3A_1 : vector<512x416xf32>
    %dot_general3A_542 = arith.constant dense<0.000000e+00> : vector<512x260xf32>
    %dot_general3A_543 = tpu.matmul %mul3A_541, %get3A_7, %dot_general3A_542 {dimension_numbers = #tpu.dot_dimension_numbers<[1], [0], [0], [1], [0, 0, 1, 1], [], []>, transpose_lhs_hint = false} : vector<512x416xf32>, vector<416x260xf32>, vector<512x260xf32> -> vector<512x260xf32>
    %add3A_544 = vector.broadcast %get3A_16 : vector<1x260xf32> to vector<512x260xf32>
    %add3A_545 = arith.addf %dot_general3A_543, %add3A_544 : vector<512x260xf32>
    %max3A_546 = arith.constant 0.000000e+00 : f32
    %max3A_547 = vector.broadcast %max3A_546 : f32 to vector<512x260xf32>
    %max3A_548 = arith.maximumf %add3A_545, %max3A_547 : vector<512x260xf32>
    %dot_general3A_549 = arith.constant dense<0.000000e+00> : vector<512x26xf32>
    %dot_general3A_550 = tpu.matmul %max3A_548, %get3A_10, %dot_general3A_549 {dimension_numbers = #tpu.dot_dimension_numbers<[1], [0], [0], [1], [0, 0, 1, 1], [], []>, transpose_lhs_hint = false} : vector<512x260xf32>, vector<260x26xf32>, vector<512x26xf32> -> vector<512x26xf32>
    %dot_general3A_551 = arith.constant dense<0.000000e+00> : vector<512x26xf32>
    %dot_general3A_552 = tpu.matmul %mul3A_541, %get3A_13, %dot_general3A_551 {dimension_numbers = #tpu.dot_dimension_numbers<[1], [0], [0], [1], [0, 0, 1, 1], [], []>, transpose_lhs_hint = false} : vector<512x416xf32>, vector<416x26xf32>, vector<512x26xf32> -> vector<512x26xf32>
    %gt3A_553 = arith.constant 16 : i32
    %gt3A_554 = vector.broadcast %gt3A_553 : i32 to vector<1x26xi32>
    %gt3A_555 = arith.cmpi sgt, %iota3A, %gt3A_554 : vector<1x26xi32>
    %exp3A_556 = math.exp %dot_general3A_550 : vector<512x26xf32>
    %jit3A_557 = arith.constant 0.000000e+00 : f32
    %broadcast_in_dim3A_558 = vector.shape_cast %gt3A_555 : vector<1x26xi1> to vector<1x26xi1>
    %broadcast_in_dim3A_559 = vector.broadcast %broadcast_in_dim3A_558 : vector<1x26xi1> to vector<512x26xi1>
    %broadcast_in_dim3A_560 = vector.broadcast %jit3A_557 : f32 to vector<512x26xf32>
    %select_n3A_561 = arith.select %broadcast_in_dim3A_559, %exp3A_556, %broadcast_in_dim3A_560 : vector<512x26xi1>, vector<512x26xf32>
    %reduce_sum3A_562 = arith.constant dense<0.000000e+00> : vector<512xf32>
    %reduce_sum3A_563 = vector.multi_reduction <add>, %select_n3A_561, %reduce_sum3A_562 [1] : vector<512x26xf32> to vector<512xf32>
    %broadcast_in_dim3A_564 = vector.shape_cast %reduce_sum3A_563 : vector<512xf32> to vector<512x1xf32>
    %add3A_565 = arith.addf %add3A_532, %broadcast_in_dim3A_564 : vector<512x1xf32>
    %mul3A_566 = arith.mulf %select_n3A_561, %dot_general3A_552 : vector<512x26xf32>
    %reduce_sum3A_567 = arith.constant dense<0.000000e+00> : vector<512xf32>
    %reduce_sum3A_568 = vector.multi_reduction <add>, %mul3A_566, %reduce_sum3A_567 [1] : vector<512x26xf32> to vector<512xf32>
    %broadcast_in_dim3A_569 = vector.shape_cast %reduce_sum3A_568 : vector<512xf32> to vector<512x1xf32>
    %add3A_570 = arith.addf %add3A_537, %broadcast_in_dim3A_569 : vector<512x1xf32>
    %slice3A_571 = vector.extract_strided_slice %get3A_1 {offsets = [0, 272], sizes = [512, 16], strides = [1, 1]} : vector<512x416xf32> to vector<512x16xf32>
    %dot_general3A_572 = arith.constant dense<0.000000e+00> : vector<512x416xf32>
    %dot_general3A_573 = tpu.matmul %slice3A_571, %get3A_4, %dot_general3A_572 {dimension_numbers = #tpu.dot_dimension_numbers<[1], [0], [0], [1], [0, 0, 1, 1], [], []>, transpose_lhs_hint = false} : vector<512x16xf32>, vector<16x416xf32>, vector<512x416xf32> -> vector<512x416xf32>
    %mul3A_574 = arith.mulf %dot_general3A_573, %get3A_1 : vector<512x416xf32>
    %dot_general3A_575 = arith.constant dense<0.000000e+00> : vector<512x260xf32>
    %dot_general3A_576 = tpu.matmul %mul3A_574, %get3A_7, %dot_general3A_575 {dimension_numbers = #tpu.dot_dimension_numbers<[1], [0], [0], [1], [0, 0, 1, 1], [], []>, transpose_lhs_hint = false} : vector<512x416xf32>, vector<416x260xf32>, vector<512x260xf32> -> vector<512x260xf32>
    %add3A_577 = vector.broadcast %get3A_16 : vector<1x260xf32> to vector<512x260xf32>
    %add3A_578 = arith.addf %dot_general3A_576, %add3A_577 : vector<512x260xf32>
    %max3A_579 = arith.constant 0.000000e+00 : f32
    %max3A_580 = vector.broadcast %max3A_579 : f32 to vector<512x260xf32>
    %max3A_581 = arith.maximumf %add3A_578, %max3A_580 : vector<512x260xf32>
    %dot_general3A_582 = arith.constant dense<0.000000e+00> : vector<512x26xf32>
    %dot_general3A_583 = tpu.matmul %max3A_581, %get3A_10, %dot_general3A_582 {dimension_numbers = #tpu.dot_dimension_numbers<[1], [0], [0], [1], [0, 0, 1, 1], [], []>, transpose_lhs_hint = false} : vector<512x260xf32>, vector<260x26xf32>, vector<512x26xf32> -> vector<512x26xf32>
    %dot_general3A_584 = arith.constant dense<0.000000e+00> : vector<512x26xf32>
    %dot_general3A_585 = tpu.matmul %mul3A_574, %get3A_13, %dot_general3A_584 {dimension_numbers = #tpu.dot_dimension_numbers<[1], [0], [0], [1], [0, 0, 1, 1], [], []>, transpose_lhs_hint = false} : vector<512x416xf32>, vector<416x26xf32>, vector<512x26xf32> -> vector<512x26xf32>
    %gt3A_586 = arith.constant 17 : i32
    %gt3A_587 = vector.broadcast %gt3A_586 : i32 to vector<1x26xi32>
    %gt3A_588 = arith.cmpi sgt, %iota3A, %gt3A_587 : vector<1x26xi32>
    %exp3A_589 = math.exp %dot_general3A_583 : vector<512x26xf32>
    %jit3A_590 = arith.constant 0.000000e+00 : f32
    %broadcast_in_dim3A_591 = vector.shape_cast %gt3A_588 : vector<1x26xi1> to vector<1x26xi1>
    %broadcast_in_dim3A_592 = vector.broadcast %broadcast_in_dim3A_591 : vector<1x26xi1> to vector<512x26xi1>
    %broadcast_in_dim3A_593 = vector.broadcast %jit3A_590 : f32 to vector<512x26xf32>
    %select_n3A_594 = arith.select %broadcast_in_dim3A_592, %exp3A_589, %broadcast_in_dim3A_593 : vector<512x26xi1>, vector<512x26xf32>
    %reduce_sum3A_595 = arith.constant dense<0.000000e+00> : vector<512xf32>
    %reduce_sum3A_596 = vector.multi_reduction <add>, %select_n3A_594, %reduce_sum3A_595 [1] : vector<512x26xf32> to vector<512xf32>
    %broadcast_in_dim3A_597 = vector.shape_cast %reduce_sum3A_596 : vector<512xf32> to vector<512x1xf32>
    %add3A_598 = arith.addf %add3A_565, %broadcast_in_dim3A_597 : vector<512x1xf32>
    %mul3A_599 = arith.mulf %select_n3A_594, %dot_general3A_585 : vector<512x26xf32>
    %reduce_sum3A_600 = arith.constant dense<0.000000e+00> : vector<512xf32>
    %reduce_sum3A_601 = vector.multi_reduction <add>, %mul3A_599, %reduce_sum3A_600 [1] : vector<512x26xf32> to vector<512xf32>
    %broadcast_in_dim3A_602 = vector.shape_cast %reduce_sum3A_601 : vector<512xf32> to vector<512x1xf32>
    %add3A_603 = arith.addf %add3A_570, %broadcast_in_dim3A_602 : vector<512x1xf32>
    %slice3A_604 = vector.extract_strided_slice %get3A_1 {offsets = [0, 288], sizes = [512, 16], strides = [1, 1]} : vector<512x416xf32> to vector<512x16xf32>
    %dot_general3A_605 = arith.constant dense<0.000000e+00> : vector<512x416xf32>
    %dot_general3A_606 = tpu.matmul %slice3A_604, %get3A_4, %dot_general3A_605 {dimension_numbers = #tpu.dot_dimension_numbers<[1], [0], [0], [1], [0, 0, 1, 1], [], []>, transpose_lhs_hint = false} : vector<512x16xf32>, vector<16x416xf32>, vector<512x416xf32> -> vector<512x416xf32>
    %mul3A_607 = arith.mulf %dot_general3A_606, %get3A_1 : vector<512x416xf32>
    %dot_general3A_608 = arith.constant dense<0.000000e+00> : vector<512x260xf32>
    %dot_general3A_609 = tpu.matmul %mul3A_607, %get3A_7, %dot_general3A_608 {dimension_numbers = #tpu.dot_dimension_numbers<[1], [0], [0], [1], [0, 0, 1, 1], [], []>, transpose_lhs_hint = false} : vector<512x416xf32>, vector<416x260xf32>, vector<512x260xf32> -> vector<512x260xf32>
    %add3A_610 = vector.broadcast %get3A_16 : vector<1x260xf32> to vector<512x260xf32>
    %add3A_611 = arith.addf %dot_general3A_609, %add3A_610 : vector<512x260xf32>
    %max3A_612 = arith.constant 0.000000e+00 : f32
    %max3A_613 = vector.broadcast %max3A_612 : f32 to vector<512x260xf32>
    %max3A_614 = arith.maximumf %add3A_611, %max3A_613 : vector<512x260xf32>
    %dot_general3A_615 = arith.constant dense<0.000000e+00> : vector<512x26xf32>
    %dot_general3A_616 = tpu.matmul %max3A_614, %get3A_10, %dot_general3A_615 {dimension_numbers = #tpu.dot_dimension_numbers<[1], [0], [0], [1], [0, 0, 1, 1], [], []>, transpose_lhs_hint = false} : vector<512x260xf32>, vector<260x26xf32>, vector<512x26xf32> -> vector<512x26xf32>
    %dot_general3A_617 = arith.constant dense<0.000000e+00> : vector<512x26xf32>
    %dot_general3A_618 = tpu.matmul %mul3A_607, %get3A_13, %dot_general3A_617 {dimension_numbers = #tpu.dot_dimension_numbers<[1], [0], [0], [1], [0, 0, 1, 1], [], []>, transpose_lhs_hint = false} : vector<512x416xf32>, vector<416x26xf32>, vector<512x26xf32> -> vector<512x26xf32>
    %gt3A_619 = arith.constant 18 : i32
    %gt3A_620 = vector.broadcast %gt3A_619 : i32 to vector<1x26xi32>
    %gt3A_621 = arith.cmpi sgt, %iota3A, %gt3A_620 : vector<1x26xi32>
    %exp3A_622 = math.exp %dot_general3A_616 : vector<512x26xf32>
    %jit3A_623 = arith.constant 0.000000e+00 : f32
    %broadcast_in_dim3A_624 = vector.shape_cast %gt3A_621 : vector<1x26xi1> to vector<1x26xi1>
    %broadcast_in_dim3A_625 = vector.broadcast %broadcast_in_dim3A_624 : vector<1x26xi1> to vector<512x26xi1>
    %broadcast_in_dim3A_626 = vector.broadcast %jit3A_623 : f32 to vector<512x26xf32>
    %select_n3A_627 = arith.select %broadcast_in_dim3A_625, %exp3A_622, %broadcast_in_dim3A_626 : vector<512x26xi1>, vector<512x26xf32>
    %reduce_sum3A_628 = arith.constant dense<0.000000e+00> : vector<512xf32>
    %reduce_sum3A_629 = vector.multi_reduction <add>, %select_n3A_627, %reduce_sum3A_628 [1] : vector<512x26xf32> to vector<512xf32>
    %broadcast_in_dim3A_630 = vector.shape_cast %reduce_sum3A_629 : vector<512xf32> to vector<512x1xf32>
    %add3A_631 = arith.addf %add3A_598, %broadcast_in_dim3A_630 : vector<512x1xf32>
    %mul3A_632 = arith.mulf %select_n3A_627, %dot_general3A_618 : vector<512x26xf32>
    %reduce_sum3A_633 = arith.constant dense<0.000000e+00> : vector<512xf32>
    %reduce_sum3A_634 = vector.multi_reduction <add>, %mul3A_632, %reduce_sum3A_633 [1] : vector<512x26xf32> to vector<512xf32>
    %broadcast_in_dim3A_635 = vector.shape_cast %reduce_sum3A_634 : vector<512xf32> to vector<512x1xf32>
    %add3A_636 = arith.addf %add3A_603, %broadcast_in_dim3A_635 : vector<512x1xf32>
    %slice3A_637 = vector.extract_strided_slice %get3A_1 {offsets = [0, 304], sizes = [512, 16], strides = [1, 1]} : vector<512x416xf32> to vector<512x16xf32>
    %dot_general3A_638 = arith.constant dense<0.000000e+00> : vector<512x416xf32>
    %dot_general3A_639 = tpu.matmul %slice3A_637, %get3A_4, %dot_general3A_638 {dimension_numbers = #tpu.dot_dimension_numbers<[1], [0], [0], [1], [0, 0, 1, 1], [], []>, transpose_lhs_hint = false} : vector<512x16xf32>, vector<16x416xf32>, vector<512x416xf32> -> vector<512x416xf32>
    %mul3A_640 = arith.mulf %dot_general3A_639, %get3A_1 : vector<512x416xf32>
    %dot_general3A_641 = arith.constant dense<0.000000e+00> : vector<512x260xf32>
    %dot_general3A_642 = tpu.matmul %mul3A_640, %get3A_7, %dot_general3A_641 {dimension_numbers = #tpu.dot_dimension_numbers<[1], [0], [0], [1], [0, 0, 1, 1], [], []>, transpose_lhs_hint = false} : vector<512x416xf32>, vector<416x260xf32>, vector<512x260xf32> -> vector<512x260xf32>
    %add3A_643 = vector.broadcast %get3A_16 : vector<1x260xf32> to vector<512x260xf32>
    %add3A_644 = arith.addf %dot_general3A_642, %add3A_643 : vector<512x260xf32>
    %max3A_645 = arith.constant 0.000000e+00 : f32
    %max3A_646 = vector.broadcast %max3A_645 : f32 to vector<512x260xf32>
    %max3A_647 = arith.maximumf %add3A_644, %max3A_646 : vector<512x260xf32>
    %dot_general3A_648 = arith.constant dense<0.000000e+00> : vector<512x26xf32>
    %dot_general3A_649 = tpu.matmul %max3A_647, %get3A_10, %dot_general3A_648 {dimension_numbers = #tpu.dot_dimension_numbers<[1], [0], [0], [1], [0, 0, 1, 1], [], []>, transpose_lhs_hint = false} : vector<512x260xf32>, vector<260x26xf32>, vector<512x26xf32> -> vector<512x26xf32>
    %dot_general3A_650 = arith.constant dense<0.000000e+00> : vector<512x26xf32>
    %dot_general3A_651 = tpu.matmul %mul3A_640, %get3A_13, %dot_general3A_650 {dimension_numbers = #tpu.dot_dimension_numbers<[1], [0], [0], [1], [0, 0, 1, 1], [], []>, transpose_lhs_hint = false} : vector<512x416xf32>, vector<416x26xf32>, vector<512x26xf32> -> vector<512x26xf32>
    %gt3A_652 = arith.constant 19 : i32
    %gt3A_653 = vector.broadcast %gt3A_652 : i32 to vector<1x26xi32>
    %gt3A_654 = arith.cmpi sgt, %iota3A, %gt3A_653 : vector<1x26xi32>
    %exp3A_655 = math.exp %dot_general3A_649 : vector<512x26xf32>
    %jit3A_656 = arith.constant 0.000000e+00 : f32
    %broadcast_in_dim3A_657 = vector.shape_cast %gt3A_654 : vector<1x26xi1> to vector<1x26xi1>
    %broadcast_in_dim3A_658 = vector.broadcast %broadcast_in_dim3A_657 : vector<1x26xi1> to vector<512x26xi1>
    %broadcast_in_dim3A_659 = vector.broadcast %jit3A_656 : f32 to vector<512x26xf32>
    %select_n3A_660 = arith.select %broadcast_in_dim3A_658, %exp3A_655, %broadcast_in_dim3A_659 : vector<512x26xi1>, vector<512x26xf32>
    %reduce_sum3A_661 = arith.constant dense<0.000000e+00> : vector<512xf32>
    %reduce_sum3A_662 = vector.multi_reduction <add>, %select_n3A_660, %reduce_sum3A_661 [1] : vector<512x26xf32> to vector<512xf32>
    %broadcast_in_dim3A_663 = vector.shape_cast %reduce_sum3A_662 : vector<512xf32> to vector<512x1xf32>
    %add3A_664 = arith.addf %add3A_631, %broadcast_in_dim3A_663 : vector<512x1xf32>
    %mul3A_665 = arith.mulf %select_n3A_660, %dot_general3A_651 : vector<512x26xf32>
    %reduce_sum3A_666 = arith.constant dense<0.000000e+00> : vector<512xf32>
    %reduce_sum3A_667 = vector.multi_reduction <add>, %mul3A_665, %reduce_sum3A_666 [1] : vector<512x26xf32> to vector<512xf32>
    %broadcast_in_dim3A_668 = vector.shape_cast %reduce_sum3A_667 : vector<512xf32> to vector<512x1xf32>
    %add3A_669 = arith.addf %add3A_636, %broadcast_in_dim3A_668 : vector<512x1xf32>
    %slice3A_670 = vector.extract_strided_slice %get3A_1 {offsets = [0, 320], sizes = [512, 16], strides = [1, 1]} : vector<512x416xf32> to vector<512x16xf32>
    %dot_general3A_671 = arith.constant dense<0.000000e+00> : vector<512x416xf32>
    %dot_general3A_672 = tpu.matmul %slice3A_670, %get3A_4, %dot_general3A_671 {dimension_numbers = #tpu.dot_dimension_numbers<[1], [0], [0], [1], [0, 0, 1, 1], [], []>, transpose_lhs_hint = false} : vector<512x16xf32>, vector<16x416xf32>, vector<512x416xf32> -> vector<512x416xf32>
    %mul3A_673 = arith.mulf %dot_general3A_672, %get3A_1 : vector<512x416xf32>
    %dot_general3A_674 = arith.constant dense<0.000000e+00> : vector<512x260xf32>
    %dot_general3A_675 = tpu.matmul %mul3A_673, %get3A_7, %dot_general3A_674 {dimension_numbers = #tpu.dot_dimension_numbers<[1], [0], [0], [1], [0, 0, 1, 1], [], []>, transpose_lhs_hint = false} : vector<512x416xf32>, vector<416x260xf32>, vector<512x260xf32> -> vector<512x260xf32>
    %add3A_676 = vector.broadcast %get3A_16 : vector<1x260xf32> to vector<512x260xf32>
    %add3A_677 = arith.addf %dot_general3A_675, %add3A_676 : vector<512x260xf32>
    %max3A_678 = arith.constant 0.000000e+00 : f32
    %max3A_679 = vector.broadcast %max3A_678 : f32 to vector<512x260xf32>
    %max3A_680 = arith.maximumf %add3A_677, %max3A_679 : vector<512x260xf32>
    %dot_general3A_681 = arith.constant dense<0.000000e+00> : vector<512x26xf32>
    %dot_general3A_682 = tpu.matmul %max3A_680, %get3A_10, %dot_general3A_681 {dimension_numbers = #tpu.dot_dimension_numbers<[1], [0], [0], [1], [0, 0, 1, 1], [], []>, transpose_lhs_hint = false} : vector<512x260xf32>, vector<260x26xf32>, vector<512x26xf32> -> vector<512x26xf32>
    %dot_general3A_683 = arith.constant dense<0.000000e+00> : vector<512x26xf32>
    %dot_general3A_684 = tpu.matmul %mul3A_673, %get3A_13, %dot_general3A_683 {dimension_numbers = #tpu.dot_dimension_numbers<[1], [0], [0], [1], [0, 0, 1, 1], [], []>, transpose_lhs_hint = false} : vector<512x416xf32>, vector<416x26xf32>, vector<512x26xf32> -> vector<512x26xf32>
    %gt3A_685 = arith.constant 20 : i32
    %gt3A_686 = vector.broadcast %gt3A_685 : i32 to vector<1x26xi32>
    %gt3A_687 = arith.cmpi sgt, %iota3A, %gt3A_686 : vector<1x26xi32>
    %exp3A_688 = math.exp %dot_general3A_682 : vector<512x26xf32>
    %jit3A_689 = arith.constant 0.000000e+00 : f32
    %broadcast_in_dim3A_690 = vector.shape_cast %gt3A_687 : vector<1x26xi1> to vector<1x26xi1>
    %broadcast_in_dim3A_691 = vector.broadcast %broadcast_in_dim3A_690 : vector<1x26xi1> to vector<512x26xi1>
    %broadcast_in_dim3A_692 = vector.broadcast %jit3A_689 : f32 to vector<512x26xf32>
    %select_n3A_693 = arith.select %broadcast_in_dim3A_691, %exp3A_688, %broadcast_in_dim3A_692 : vector<512x26xi1>, vector<512x26xf32>
    %reduce_sum3A_694 = arith.constant dense<0.000000e+00> : vector<512xf32>
    %reduce_sum3A_695 = vector.multi_reduction <add>, %select_n3A_693, %reduce_sum3A_694 [1] : vector<512x26xf32> to vector<512xf32>
    %broadcast_in_dim3A_696 = vector.shape_cast %reduce_sum3A_695 : vector<512xf32> to vector<512x1xf32>
    %add3A_697 = arith.addf %add3A_664, %broadcast_in_dim3A_696 : vector<512x1xf32>
    %mul3A_698 = arith.mulf %select_n3A_693, %dot_general3A_684 : vector<512x26xf32>
    %reduce_sum3A_699 = arith.constant dense<0.000000e+00> : vector<512xf32>
    %reduce_sum3A_700 = vector.multi_reduction <add>, %mul3A_698, %reduce_sum3A_699 [1] : vector<512x26xf32> to vector<512xf32>
    %broadcast_in_dim3A_701 = vector.shape_cast %reduce_sum3A_700 : vector<512xf32> to vector<512x1xf32>
    %add3A_702 = arith.addf %add3A_669, %broadcast_in_dim3A_701 : vector<512x1xf32>
    %slice3A_703 = vector.extract_strided_slice %get3A_1 {offsets = [0, 336], sizes = [512, 16], strides = [1, 1]} : vector<512x416xf32> to vector<512x16xf32>
    %dot_general3A_704 = arith.constant dense<0.000000e+00> : vector<512x416xf32>
    %dot_general3A_705 = tpu.matmul %slice3A_703, %get3A_4, %dot_general3A_704 {dimension_numbers = #tpu.dot_dimension_numbers<[1], [0], [0], [1], [0, 0, 1, 1], [], []>, transpose_lhs_hint = false} : vector<512x16xf32>, vector<16x416xf32>, vector<512x416xf32> -> vector<512x416xf32>
    %mul3A_706 = arith.mulf %dot_general3A_705, %get3A_1 : vector<512x416xf32>
    %dot_general3A_707 = arith.constant dense<0.000000e+00> : vector<512x260xf32>
    %dot_general3A_708 = tpu.matmul %mul3A_706, %get3A_7, %dot_general3A_707 {dimension_numbers = #tpu.dot_dimension_numbers<[1], [0], [0], [1], [0, 0, 1, 1], [], []>, transpose_lhs_hint = false} : vector<512x416xf32>, vector<416x260xf32>, vector<512x260xf32> -> vector<512x260xf32>
    %add3A_709 = vector.broadcast %get3A_16 : vector<1x260xf32> to vector<512x260xf32>
    %add3A_710 = arith.addf %dot_general3A_708, %add3A_709 : vector<512x260xf32>
    %max3A_711 = arith.constant 0.000000e+00 : f32
    %max3A_712 = vector.broadcast %max3A_711 : f32 to vector<512x260xf32>
    %max3A_713 = arith.maximumf %add3A_710, %max3A_712 : vector<512x260xf32>
    %dot_general3A_714 = arith.constant dense<0.000000e+00> : vector<512x26xf32>
    %dot_general3A_715 = tpu.matmul %max3A_713, %get3A_10, %dot_general3A_714 {dimension_numbers = #tpu.dot_dimension_numbers<[1], [0], [0], [1], [0, 0, 1, 1], [], []>, transpose_lhs_hint = false} : vector<512x260xf32>, vector<260x26xf32>, vector<512x26xf32> -> vector<512x26xf32>
    %dot_general3A_716 = arith.constant dense<0.000000e+00> : vector<512x26xf32>
    %dot_general3A_717 = tpu.matmul %mul3A_706, %get3A_13, %dot_general3A_716 {dimension_numbers = #tpu.dot_dimension_numbers<[1], [0], [0], [1], [0, 0, 1, 1], [], []>, transpose_lhs_hint = false} : vector<512x416xf32>, vector<416x26xf32>, vector<512x26xf32> -> vector<512x26xf32>
    %gt3A_718 = arith.constant 21 : i32
    %gt3A_719 = vector.broadcast %gt3A_718 : i32 to vector<1x26xi32>
    %gt3A_720 = arith.cmpi sgt, %iota3A, %gt3A_719 : vector<1x26xi32>
    %exp3A_721 = math.exp %dot_general3A_715 : vector<512x26xf32>
    %jit3A_722 = arith.constant 0.000000e+00 : f32
    %broadcast_in_dim3A_723 = vector.shape_cast %gt3A_720 : vector<1x26xi1> to vector<1x26xi1>
    %broadcast_in_dim3A_724 = vector.broadcast %broadcast_in_dim3A_723 : vector<1x26xi1> to vector<512x26xi1>
    %broadcast_in_dim3A_725 = vector.broadcast %jit3A_722 : f32 to vector<512x26xf32>
    %select_n3A_726 = arith.select %broadcast_in_dim3A_724, %exp3A_721, %broadcast_in_dim3A_725 : vector<512x26xi1>, vector<512x26xf32>
    %reduce_sum3A_727 = arith.constant dense<0.000000e+00> : vector<512xf32>
    %reduce_sum3A_728 = vector.multi_reduction <add>, %select_n3A_726, %reduce_sum3A_727 [1] : vector<512x26xf32> to vector<512xf32>
    %broadcast_in_dim3A_729 = vector.shape_cast %reduce_sum3A_728 : vector<512xf32> to vector<512x1xf32>
    %add3A_730 = arith.addf %add3A_697, %broadcast_in_dim3A_729 : vector<512x1xf32>
    %mul3A_731 = arith.mulf %select_n3A_726, %dot_general3A_717 : vector<512x26xf32>
    %reduce_sum3A_732 = arith.constant dense<0.000000e+00> : vector<512xf32>
    %reduce_sum3A_733 = vector.multi_reduction <add>, %mul3A_731, %reduce_sum3A_732 [1] : vector<512x26xf32> to vector<512xf32>
    %broadcast_in_dim3A_734 = vector.shape_cast %reduce_sum3A_733 : vector<512xf32> to vector<512x1xf32>
    %add3A_735 = arith.addf %add3A_702, %broadcast_in_dim3A_734 : vector<512x1xf32>
    %slice3A_736 = vector.extract_strided_slice %get3A_1 {offsets = [0, 352], sizes = [512, 16], strides = [1, 1]} : vector<512x416xf32> to vector<512x16xf32>
    %dot_general3A_737 = arith.constant dense<0.000000e+00> : vector<512x416xf32>
    %dot_general3A_738 = tpu.matmul %slice3A_736, %get3A_4, %dot_general3A_737 {dimension_numbers = #tpu.dot_dimension_numbers<[1], [0], [0], [1], [0, 0, 1, 1], [], []>, transpose_lhs_hint = false} : vector<512x16xf32>, vector<16x416xf32>, vector<512x416xf32> -> vector<512x416xf32>
    %mul3A_739 = arith.mulf %dot_general3A_738, %get3A_1 : vector<512x416xf32>
    %dot_general3A_740 = arith.constant dense<0.000000e+00> : vector<512x260xf32>
    %dot_general3A_741 = tpu.matmul %mul3A_739, %get3A_7, %dot_general3A_740 {dimension_numbers = #tpu.dot_dimension_numbers<[1], [0], [0], [1], [0, 0, 1, 1], [], []>, transpose_lhs_hint = false} : vector<512x416xf32>, vector<416x260xf32>, vector<512x260xf32> -> vector<512x260xf32>
    %add3A_742 = vector.broadcast %get3A_16 : vector<1x260xf32> to vector<512x260xf32>
    %add3A_743 = arith.addf %dot_general3A_741, %add3A_742 : vector<512x260xf32>
    %max3A_744 = arith.constant 0.000000e+00 : f32
    %max3A_745 = vector.broadcast %max3A_744 : f32 to vector<512x260xf32>
    %max3A_746 = arith.maximumf %add3A_743, %max3A_745 : vector<512x260xf32>
    %dot_general3A_747 = arith.constant dense<0.000000e+00> : vector<512x26xf32>
    %dot_general3A_748 = tpu.matmul %max3A_746, %get3A_10, %dot_general3A_747 {dimension_numbers = #tpu.dot_dimension_numbers<[1], [0], [0], [1], [0, 0, 1, 1], [], []>, transpose_lhs_hint = false} : vector<512x260xf32>, vector<260x26xf32>, vector<512x26xf32> -> vector<512x26xf32>
    %dot_general3A_749 = arith.constant dense<0.000000e+00> : vector<512x26xf32>
    %dot_general3A_750 = tpu.matmul %mul3A_739, %get3A_13, %dot_general3A_749 {dimension_numbers = #tpu.dot_dimension_numbers<[1], [0], [0], [1], [0, 0, 1, 1], [], []>, transpose_lhs_hint = false} : vector<512x416xf32>, vector<416x26xf32>, vector<512x26xf32> -> vector<512x26xf32>
    %gt3A_751 = arith.constant 22 : i32
    %gt3A_752 = vector.broadcast %gt3A_751 : i32 to vector<1x26xi32>
    %gt3A_753 = arith.cmpi sgt, %iota3A, %gt3A_752 : vector<1x26xi32>
    %exp3A_754 = math.exp %dot_general3A_748 : vector<512x26xf32>
    %jit3A_755 = arith.constant 0.000000e+00 : f32
    %broadcast_in_dim3A_756 = vector.shape_cast %gt3A_753 : vector<1x26xi1> to vector<1x26xi1>
    %broadcast_in_dim3A_757 = vector.broadcast %broadcast_in_dim3A_756 : vector<1x26xi1> to vector<512x26xi1>
    %broadcast_in_dim3A_758 = vector.broadcast %jit3A_755 : f32 to vector<512x26xf32>
    %select_n3A_759 = arith.select %broadcast_in_dim3A_757, %exp3A_754, %broadcast_in_dim3A_758 : vector<512x26xi1>, vector<512x26xf32>
    %reduce_sum3A_760 = arith.constant dense<0.000000e+00> : vector<512xf32>
    %reduce_sum3A_761 = vector.multi_reduction <add>, %select_n3A_759, %reduce_sum3A_760 [1] : vector<512x26xf32> to vector<512xf32>
    %broadcast_in_dim3A_762 = vector.shape_cast %reduce_sum3A_761 : vector<512xf32> to vector<512x1xf32>
    %add3A_763 = arith.addf %add3A_730, %broadcast_in_dim3A_762 : vector<512x1xf32>
    %mul3A_764 = arith.mulf %select_n3A_759, %dot_general3A_750 : vector<512x26xf32>
    %reduce_sum3A_765 = arith.constant dense<0.000000e+00> : vector<512xf32>
    %reduce_sum3A_766 = vector.multi_reduction <add>, %mul3A_764, %reduce_sum3A_765 [1] : vector<512x26xf32> to vector<512xf32>
    %broadcast_in_dim3A_767 = vector.shape_cast %reduce_sum3A_766 : vector<512xf32> to vector<512x1xf32>
    %add3A_768 = arith.addf %add3A_735, %broadcast_in_dim3A_767 : vector<512x1xf32>
    %slice3A_769 = vector.extract_strided_slice %get3A_1 {offsets = [0, 368], sizes = [512, 16], strides = [1, 1]} : vector<512x416xf32> to vector<512x16xf32>
    %dot_general3A_770 = arith.constant dense<0.000000e+00> : vector<512x416xf32>
    %dot_general3A_771 = tpu.matmul %slice3A_769, %get3A_4, %dot_general3A_770 {dimension_numbers = #tpu.dot_dimension_numbers<[1], [0], [0], [1], [0, 0, 1, 1], [], []>, transpose_lhs_hint = false} : vector<512x16xf32>, vector<16x416xf32>, vector<512x416xf32> -> vector<512x416xf32>
    %mul3A_772 = arith.mulf %dot_general3A_771, %get3A_1 : vector<512x416xf32>
    %dot_general3A_773 = arith.constant dense<0.000000e+00> : vector<512x260xf32>
    %dot_general3A_774 = tpu.matmul %mul3A_772, %get3A_7, %dot_general3A_773 {dimension_numbers = #tpu.dot_dimension_numbers<[1], [0], [0], [1], [0, 0, 1, 1], [], []>, transpose_lhs_hint = false} : vector<512x416xf32>, vector<416x260xf32>, vector<512x260xf32> -> vector<512x260xf32>
    %add3A_775 = vector.broadcast %get3A_16 : vector<1x260xf32> to vector<512x260xf32>
    %add3A_776 = arith.addf %dot_general3A_774, %add3A_775 : vector<512x260xf32>
    %max3A_777 = arith.constant 0.000000e+00 : f32
    %max3A_778 = vector.broadcast %max3A_777 : f32 to vector<512x260xf32>
    %max3A_779 = arith.maximumf %add3A_776, %max3A_778 : vector<512x260xf32>
    %dot_general3A_780 = arith.constant dense<0.000000e+00> : vector<512x26xf32>
    %dot_general3A_781 = tpu.matmul %max3A_779, %get3A_10, %dot_general3A_780 {dimension_numbers = #tpu.dot_dimension_numbers<[1], [0], [0], [1], [0, 0, 1, 1], [], []>, transpose_lhs_hint = false} : vector<512x260xf32>, vector<260x26xf32>, vector<512x26xf32> -> vector<512x26xf32>
    %dot_general3A_782 = arith.constant dense<0.000000e+00> : vector<512x26xf32>
    %dot_general3A_783 = tpu.matmul %mul3A_772, %get3A_13, %dot_general3A_782 {dimension_numbers = #tpu.dot_dimension_numbers<[1], [0], [0], [1], [0, 0, 1, 1], [], []>, transpose_lhs_hint = false} : vector<512x416xf32>, vector<416x26xf32>, vector<512x26xf32> -> vector<512x26xf32>
    %gt3A_784 = arith.constant 23 : i32
    %gt3A_785 = vector.broadcast %gt3A_784 : i32 to vector<1x26xi32>
    %gt3A_786 = arith.cmpi sgt, %iota3A, %gt3A_785 : vector<1x26xi32>
    %exp3A_787 = math.exp %dot_general3A_781 : vector<512x26xf32>
    %jit3A_788 = arith.constant 0.000000e+00 : f32
    %broadcast_in_dim3A_789 = vector.shape_cast %gt3A_786 : vector<1x26xi1> to vector<1x26xi1>
    %broadcast_in_dim3A_790 = vector.broadcast %broadcast_in_dim3A_789 : vector<1x26xi1> to vector<512x26xi1>
    %broadcast_in_dim3A_791 = vector.broadcast %jit3A_788 : f32 to vector<512x26xf32>
    %select_n3A_792 = arith.select %broadcast_in_dim3A_790, %exp3A_787, %broadcast_in_dim3A_791 : vector<512x26xi1>, vector<512x26xf32>
    %reduce_sum3A_793 = arith.constant dense<0.000000e+00> : vector<512xf32>
    %reduce_sum3A_794 = vector.multi_reduction <add>, %select_n3A_792, %reduce_sum3A_793 [1] : vector<512x26xf32> to vector<512xf32>
    %broadcast_in_dim3A_795 = vector.shape_cast %reduce_sum3A_794 : vector<512xf32> to vector<512x1xf32>
    %add3A_796 = arith.addf %add3A_763, %broadcast_in_dim3A_795 : vector<512x1xf32>
    %mul3A_797 = arith.mulf %select_n3A_792, %dot_general3A_783 : vector<512x26xf32>
    %reduce_sum3A_798 = arith.constant dense<0.000000e+00> : vector<512xf32>
    %reduce_sum3A_799 = vector.multi_reduction <add>, %mul3A_797, %reduce_sum3A_798 [1] : vector<512x26xf32> to vector<512xf32>
    %broadcast_in_dim3A_800 = vector.shape_cast %reduce_sum3A_799 : vector<512xf32> to vector<512x1xf32>
    %add3A_801 = arith.addf %add3A_768, %broadcast_in_dim3A_800 : vector<512x1xf32>
    %slice3A_802 = vector.extract_strided_slice %get3A_1 {offsets = [0, 384], sizes = [512, 16], strides = [1, 1]} : vector<512x416xf32> to vector<512x16xf32>
    %dot_general3A_803 = arith.constant dense<0.000000e+00> : vector<512x416xf32>
    %dot_general3A_804 = tpu.matmul %slice3A_802, %get3A_4, %dot_general3A_803 {dimension_numbers = #tpu.dot_dimension_numbers<[1], [0], [0], [1], [0, 0, 1, 1], [], []>, transpose_lhs_hint = false} : vector<512x16xf32>, vector<16x416xf32>, vector<512x416xf32> -> vector<512x416xf32>
    %mul3A_805 = arith.mulf %dot_general3A_804, %get3A_1 : vector<512x416xf32>
    %dot_general3A_806 = arith.constant dense<0.000000e+00> : vector<512x260xf32>
    %dot_general3A_807 = tpu.matmul %mul3A_805, %get3A_7, %dot_general3A_806 {dimension_numbers = #tpu.dot_dimension_numbers<[1], [0], [0], [1], [0, 0, 1, 1], [], []>, transpose_lhs_hint = false} : vector<512x416xf32>, vector<416x260xf32>, vector<512x260xf32> -> vector<512x260xf32>
    %add3A_808 = vector.broadcast %get3A_16 : vector<1x260xf32> to vector<512x260xf32>
    %add3A_809 = arith.addf %dot_general3A_807, %add3A_808 : vector<512x260xf32>
    %max3A_810 = arith.constant 0.000000e+00 : f32
    %max3A_811 = vector.broadcast %max3A_810 : f32 to vector<512x260xf32>
    %max3A_812 = arith.maximumf %add3A_809, %max3A_811 : vector<512x260xf32>
    %dot_general3A_813 = arith.constant dense<0.000000e+00> : vector<512x26xf32>
    %dot_general3A_814 = tpu.matmul %max3A_812, %get3A_10, %dot_general3A_813 {dimension_numbers = #tpu.dot_dimension_numbers<[1], [0], [0], [1], [0, 0, 1, 1], [], []>, transpose_lhs_hint = false} : vector<512x260xf32>, vector<260x26xf32>, vector<512x26xf32> -> vector<512x26xf32>
    %dot_general3A_815 = arith.constant dense<0.000000e+00> : vector<512x26xf32>
    %dot_general3A_816 = tpu.matmul %mul3A_805, %get3A_13, %dot_general3A_815 {dimension_numbers = #tpu.dot_dimension_numbers<[1], [0], [0], [1], [0, 0, 1, 1], [], []>, transpose_lhs_hint = false} : vector<512x416xf32>, vector<416x26xf32>, vector<512x26xf32> -> vector<512x26xf32>
    %gt3A_817 = arith.constant 24 : i32
    %gt3A_818 = vector.broadcast %gt3A_817 : i32 to vector<1x26xi32>
    %gt3A_819 = arith.cmpi sgt, %iota3A, %gt3A_818 : vector<1x26xi32>
    %exp3A_820 = math.exp %dot_general3A_814 : vector<512x26xf32>
    %jit3A_821 = arith.constant 0.000000e+00 : f32
    %broadcast_in_dim3A_822 = vector.shape_cast %gt3A_819 : vector<1x26xi1> to vector<1x26xi1>
    %broadcast_in_dim3A_823 = vector.broadcast %broadcast_in_dim3A_822 : vector<1x26xi1> to vector<512x26xi1>
    %broadcast_in_dim3A_824 = vector.broadcast %jit3A_821 : f32 to vector<512x26xf32>
    %select_n3A_825 = arith.select %broadcast_in_dim3A_823, %exp3A_820, %broadcast_in_dim3A_824 : vector<512x26xi1>, vector<512x26xf32>
    %reduce_sum3A_826 = arith.constant dense<0.000000e+00> : vector<512xf32>
    %reduce_sum3A_827 = vector.multi_reduction <add>, %select_n3A_825, %reduce_sum3A_826 [1] : vector<512x26xf32> to vector<512xf32>
    %broadcast_in_dim3A_828 = vector.shape_cast %reduce_sum3A_827 : vector<512xf32> to vector<512x1xf32>
    %add3A_829 = arith.addf %add3A_796, %broadcast_in_dim3A_828 : vector<512x1xf32>
    %mul3A_830 = arith.mulf %select_n3A_825, %dot_general3A_816 : vector<512x26xf32>
    %reduce_sum3A_831 = arith.constant dense<0.000000e+00> : vector<512xf32>
    %reduce_sum3A_832 = vector.multi_reduction <add>, %mul3A_830, %reduce_sum3A_831 [1] : vector<512x26xf32> to vector<512xf32>
    %broadcast_in_dim3A_833 = vector.shape_cast %reduce_sum3A_832 : vector<512xf32> to vector<512x1xf32>
    %add3A_834 = arith.addf %add3A_801, %broadcast_in_dim3A_833 : vector<512x1xf32>
    %div3A = arith.divf %add3A_834, %add3A_829 : vector<512x1xf32>
    %get3A_835 = arith.constant 0 : index
    %get3A_836 = arith.constant 0 : index
    %get3A_837 = vector.load %arg7[%get3A_835, %get3A_836] : memref<416x1xf32, #tpu.memory_space<vmem>>, vector<416x1xf32>
    %dot_general3A_838 = arith.constant dense<0.000000e+00> : vector<512x1xf32>
    %dot_general3A_839 = tpu.matmul %get3A_1, %get3A_837, %dot_general3A_838 {dimension_numbers = #tpu.dot_dimension_numbers<[1], [0], [0], [1], [0, 0, 1, 1], [], []>, transpose_lhs_hint = false} : vector<512x416xf32>, vector<416x1xf32>, vector<512x1xf32> -> vector<512x1xf32>
    %get3A_840 = arith.constant 0 : index
    %get3A_841 = arith.constant 0 : index
    %get3A_842 = vector.load %arg8[%get3A_840, %get3A_841] : memref<1x1xf32, #tpu.memory_space<vmem>>, vector<1x1xf32>
    %get3A_843 = vector.extract %get3A_842[0, 0] : f32 from vector<1x1xf32>
    %add3A_844 = vector.broadcast %get3A_843 : f32 to vector<512x1xf32>
    %add3A_845 = arith.addf %dot_general3A_839, %add3A_844 : vector<512x1xf32>
    %add3A_846 = arith.addf %add3A_845, %div3A : vector<512x1xf32>
    %logistic3A = arith.negf %add3A_846 : vector<512x1xf32>
    %logistic3A_847 = math.exp %logistic3A : vector<512x1xf32>
    %logistic3A_848 = arith.constant 1.000000e+00 : f32
    %logistic3A_849 = vector.broadcast %logistic3A_848 : f32 to vector<512x1xf32>
    %logistic3A_850 = arith.addf %logistic3A_849, %logistic3A_847 : vector<512x1xf32>
    %logistic3A_851 = arith.divf %logistic3A_849, %logistic3A_850 : vector<512x1xf32>
    %swap3A = arith.constant 0 : index
    %swap3A_852 = arith.constant 0 : index
    %swap3A_853 = vector.load %arg9[%swap3A, %swap3A_852] : memref<512x1xf32, #tpu.memory_space<vmem>>, vector<512x1xf32>
    tpu.vector_store %arg9[%swap3A, %swap3A_852], %logistic3A_851 {strides = array<i32>} : memref<512x1xf32, #tpu.memory_space<vmem>>, vector<512x1xf32>,
    return
  }
  func.func @transform_0(%arg0: i32) -> (i32, i32) {
    %c0_i32 = arith.constant 0 : i32
    %c0_i32_0 = arith.constant 0 : i32
    return %arg0, %c0_i32 : i32, i32
  }
  func.func @transform_1(%arg0: i32) -> (i32, i32) {
    %c0_i32 = arith.constant 0 : i32
    %c0_i32_0 = arith.constant 0 : i32
    %c0_i32_1 = arith.constant 0 : i32
    return %c0_i32, %c0_i32_0 : i32, i32
  }
  func.func @transform_2(%arg0: i32) -> (i32, i32) {
    %c0_i32 = arith.constant 0 : i32
    %c0_i32_0 = arith.constant 0 : i32
    %c0_i32_1 = arith.constant 0 : i32
    return %c0_i32, %c0_i32_0 : i32, i32
  }
  func.func @transform_3(%arg0: i32) -> (i32, i32) {
    %c0_i32 = arith.constant 0 : i32
    %c0_i32_0 = arith.constant 0 : i32
    %c0_i32_1 = arith.constant 0 : i32
    return %c0_i32, %c0_i32_0 : i32, i32
  }
  func.func @transform_4(%arg0: i32) -> (i32, i32) {
    %c0_i32 = arith.constant 0 : i32
    %c0_i32_0 = arith.constant 0 : i32
    %c0_i32_1 = arith.constant 0 : i32
    return %c0_i32, %c0_i32_0 : i32, i32
  }
  func.func @transform_5(%arg0: i32) -> (i32, i32) {
    %c0_i32 = arith.constant 0 : i32
    %c0_i32_0 = arith.constant 0 : i32
    %c0_i32_1 = arith.constant 0 : i32
    return %c0_i32, %c0_i32_0 : i32, i32
  }
  func.func @transform_6(%arg0: i32) -> (i32, i32) {
    %c0_i32 = arith.constant 0 : i32
    %c0_i32_0 = arith.constant 0 : i32
    %c0_i32_1 = arith.constant 0 : i32
    return %c0_i32, %c0_i32_0 : i32, i32
  }
  func.func @transform_7(%arg0: i32) -> (i32, i32) {
    %c0_i32 = arith.constant 0 : i32
    %c0_i32_0 = arith.constant 0 : i32
    %c0_i32_1 = arith.constant 0 : i32
    return %c0_i32, %c0_i32_0 : i32, i32
  }
  func.func @transform_8(%arg0: i32) -> (i32, i32) {
    %c0_i32 = arith.constant 0 : i32
    %c0_i32_0 = arith.constant 0 : i32
    return %arg0, %c0_i32 : i32, i32
  }
}

</mosaic_0001>

<sc_bundles>
// kernel: kernel.4.cloned.1.call-start
scs
__scs_entry_jumppad:
0x0: {  	(pc) =	sbr.rel $0x88, $3  }
0x1: {  	(tag) =	ssettag $0x0;
	lr =	simm.s32 $0x1  }
0x2: {  	[smem:$0x3F99] =	sst lr;
	_ =	strace $0xD0000000  }
0x3: {  	_ = 	snop  }
0x4: {  	_ = 	snop  }
0x5: {  	_ = 	snop  }
0x6: {  	_ = 	snop  }
0x7: {  	_ = 	snop  }
__scs_overlays_trampoline_lowered:
0x8: {  	[smem:$0x3FA8] =	sst s0  }
0x9: {  	[smem:$0x3FA9] =	sst s1  }
0xa: {  	[smem:$0x3FAA] =	sst s2  }
0xb: {  	[smem:$0x3FAB] =	sst s3  }
0xc: {  	[smem:$0x3FAC] =	sst s4  }
0xd: {  	[smem:$0x3FAD] =	sst s5  }
0xe: {  	[smem:$0x3FAE] =	sst s6  }
0xf: {  	[smem:$0x3FAF] =	sst s7  }
0x10: {  	[smem:$0x3FB0] =	sst s8  }
0x11: {  	[smem:$0x3FB1] =	sst s9;
	s0 =	simm.s32 @!p0 $0x0  }
0x12: {  	s1 =	sld [smem:$0x3F97];
	s0 =	simm.s32 @p0 $0x1  }
0x13: {  	[smem:$0x3FB2] =	sst s0;
	s0 =	simm.s32 @!p1 $0x0  }
0x14: {  	s2 =	sld [smem:$0x3F96];
	s0 =	simm.s32 @p1 $0x1  }
0x15: {  	[smem:$0x3FB3] =	sst s0;
	s0 =	simm.s32 @!p2 $0x0  }
0x16: {  	s3 =	sld [smem:$0x3FDB];
	s0 =	simm.s32 @p2 $0x1  }
0x17: {  	s4 =	simm.s32 $0x1BF5;
	[smem:$0x3FB5] =	sst s0  }
0x18: {  	s0 =	sld [smem:$0x3F98];
	_ =	swait.ge [sflag:s4], $0x0  }
0x19: {  	s7 =	sld [smem:$0x3F99]  }
0x1a: {  	s8 =	sadd.s32 $0xFFFFE003, lr  }
0x1b: {  	s9 =	sadd.s32 $0xFFFFFEF7, lr;
	s5 =	simm.s32 $0xFFFFFFFF;
	p2 =	slt.u32 s8, $0xFFFFF086  }
0x1c: {  	p1 =	slt.u32 s9, $0xF7A;
	s5 =	simm.s32 @!p2 $0x0  }
0x1d: {  	s5 =	simm.s32 @p1 $0x1;
	p0 =	seq.s32 s7, s2  }
0x1e: {  	s7 =	smul.u32 @!p0 $0xF7A, s2;
	p2 =	seq.s32 @!p0 s5, $0x0  }
0x1f: {  	s9 =	smul.u32 $0xF7A, s1;
	s8 =	simm.s32 @!p0 $0x1BF5;
	p2 =	por !p2, p0  }
0x20: {  	[sflag:s8] =	ssyncset.s32 @!p0 $0xFFFFF086;
	s6 =	sadd.s32 @!p0 s3, s7;
	s7 =	simm.s32 @!p0 $0x108  }
0x21: {  	s3 =	sadd.s32 s3, s9;
	s6 =	sadd.s32 @!p0 $0x88, s6;
	s7 =	simm.s32 @p2 $0x1082  }
0x22: {  	[simem:s7], [sflag:s8] =	dma.local @!p0 [hbm:s6], $0xF7A  }
0x23: {  	s9 =	sor.u32 $0xD0000000, s2;
	s6 =	simm.s32 $0x108;
	_ =	swait.ge @!p0 [sflag:s8], $0x0  }
0x24: {  	s3 =	sadd.s32 $0x88, s3;
	s6 =	simm.s32 @!p1 $0x1082;
	[sflag:s4] =	ssyncset.s32 $0xFFFFF086  }
0x25: {  	[simem:s6], [sflag:s4] =	dma.local [hbm:s3], $0xF7A  }
0x26: {  	[smem:$0x3F99] =	sst s1;
	(tag) =	ssettag s2;
	_ =	strace s9  }
0x27: {  	s1 =	sld [smem:$0x3FA9]  }
0x28: {  	s2 =	sld [smem:$0x3FAA]  }
0x29: {  	s4 =	sld [smem:$0x3FAC]  }
0x2a: {  	p0 =	seq.s32 s5, $0x0;
	s5 =	sld [smem:$0x3FAD]  }
0x2b: {  	s6 =	sld [smem:$0x3FAE]  }
0x2c: {  	s7 =	sld [smem:$0x3FAF]  }
0x2d: {  	s3 =	simm.s32 $0x108;
	s8 =	sld [smem:$0x3FB0]  }
0x2e: {  	s3 =	simm.s32 @!p0 $0x1082;
	s9 =	sld [smem:$0x3FB1]  }
0x2f: {  	lr =	sadd.s32 s0, s3;
	s0 =	sld [smem:$0x3FA8]  }
0x30: {  	s3 =	sld [smem:$0x3FAB]  }
0x31: {  	[smem:$0x3FB4] =	sst s10  }
0x32: {  	s10 =	sld [smem:$0x3FB2];
	_ =	sdelay $0x3  }
0x33: {  	p0 =	seq.s32 s10, $0x1;
	s10 =	sld [smem:$0x3FB4];
	_ =	sdelay $0x3  }
0x34: {  	[smem:$0x3FB4] =	sst s10  }
0x35: {  	s10 =	sld [smem:$0x3FB3];
	_ =	sdelay $0x3  }
0x36: {  	p1 =	seq.s32 s10, $0x1;
	s10 =	sld [smem:$0x3FB4];
	_ =	sdelay $0x3  }
0x37: {  	[smem:$0x3FB4] =	sst s10  }
0x38: {  	s10 =	sld [smem:$0x3FB5]  }
0x39: {  	_ = 	snop;
	(pc) =	sbr.ind lr, $3  }
0x3a: {  	_ = 	snop  }
0x3b: {  	_ = 	snop  }
0x3c: {  	p2 =	seq.s32 s10, $0x1;
	s10 =	sld [smem:$0x3FB4]  }
0x3d: {  	_ =	shalt  }
0x3e: {  	_ =	shalt  }
0x3f: {  	_ =	shalt  }
0x40: {  	_ =	shalt  }
0x41: {  	_ =	shalt  }
0x42: {  	_ =	shalt  }
0x43: {  	_ =	shalt  }
0x44: {  	_ =	shalt  }
0x45: {  	_ =	shalt  }
0x46: {  	_ =	shalt  }
0x47: {  	_ =	shalt  }
0x48: {  	_ =	shalt  }
0x49: {  	_ =	shalt  }
0x4a: {  	_ =	shalt  }
0x4b: {  	_ =	shalt  }
0x4c: {  	_ =	shalt  }
0x4d: {  	_ =	shalt  }
0x4e: {  	_ =	shalt  }
0x4f: {  	_ =	shalt  }
0x50: {  	_ =	shalt  }
0x51: {  	_ =	shalt  }
0x52: {  	_ =	shalt  }
0x53: {  	_ =	shalt  }
0x54: {  	_ =	shalt  }
0x55: {  	_ =	shalt  }
0x56: {  	_ =	shalt  }
0x57: {  	_ =	shalt  }
0x58: {  	_ =	shalt  }
0x59: {  	_ =	shalt  }
0x5a: {  	_ =	shalt  }
0x5b: {  	_ =	shalt  }
0x5c: {  	_ =	shalt  }
0x5d: {  	_ =	shalt  }
0x5e: {  	_ =	shalt  }
0x5f: {  	_ =	shalt  }
0x60: {  	_ =	shalt  }
0x61: {  	_ =	shalt  }
0x62: {  	_ =	shalt  }
0x63: {  	_ =	shalt  }
0x64: {  	_ =	shalt  }
0x65: {  	_ =	shalt  }
0x66: {  	_ =	shalt  }
0x67: {  	_ =	shalt  }
0x68: {  	_ =	shalt  }
0x69: {  	_ =	shalt  }
0x6a: {  	_ =	shalt  }
0x6b: {  	_ =	shalt  }
0x6c: {  	_ =	shalt  }
0x6d: {  	_ =	shalt  }
0x6e: {  	_ =	shalt  }
0x6f: {  	_ =	shalt  }
0x70: {  	_ =	shalt  }
0x71: {  	_ =	shalt  }
0x72: {  	_ =	shalt  }
0x73: {  	_ =	shalt  }
0x74: {  	_ =	shalt  }
0x75: {  	_ =	shalt  }
0x76: {  	_ =	shalt  }
0x77: {  	_ =	shalt  }
0x78: {  	_ =	shalt  }
0x79: {  	_ =	shalt  }
0x7a: {  	_ =	shalt  }
0x7b: {  	_ =	shalt  }
0x7c: {  	_ =	shalt  }
0x7d: {  	_ =	shalt  }
0x7e: {  	_ =	shalt  }
0x7f: {  	_ =	shalt  }
0x80: {  	_ =	shalt  }
0x81: {  	_ =	shalt  }
0x82: {  	_ =	shalt  }
0x83: {  	_ =	shalt  }
0x84: {  	_ =	shalt  }
0x85: {  	_ =	shalt  }
0x86: {  	_ =	shalt  }
0x87: {  	_ =	shalt  }
.Lfunc_end0:
.L_simem_size_0:
called_computation_lowered:
.L_overlay_start_0:
0x88: {  	s2 =	sld [smem:$0x3FD9]  }
0x89: {  	s3 =	sld [smem:$0x3FFE];
	_ =	sdelay $0x1  }
0x8a: {  	s1 =	srdreg.scid  }
0x8b: {  	s0 =	sand.u32 $0x1, s1  }
0x8c: {  	s16 =	sshll.u32 s0, $0xA;
	s2 =	sadd.s32 s3, s2  }
0x8d: {  	s2 =	sadd.s32 s2, s16  }
0x8e: {  	[smem:$0x3FC0] =	sst s2  }
0x8f: {  	_ = 	snop  }
0x90: {  	(tm) =	ssettm $0x1  }
0x91: {  	s17 =	sld [smem:$0x3FFB];
	_ =	sdelay $0x3  }
0x92: {  	_ =	strace s17  }
0x93: {  	s2 =	sld [smem:$0x3FFC];
	_ =	sdelay $0x3  }
0x94: {  	_ =	strace s2  }
0x95: {  	s2 =	sld [smem:$0x3FFD];
	_ =	sdelay $0x3  }
0x96: {  	_ =	strace s2  }
0x97: {  	_ =	strace $0x8FFFFFFF  }
0x98: {  	s18 =	sld [smem:$0x3FDB];
	_ =	sdelay $0x1  }
0x99: {  	s19 =	simm.s32 $_scs_section_size  }
0x9a: {  	s4 =	simm.s32 $_size__tile_overlayer_lowered;
	s5 =	simm.s32 $_tile_overlayer_lowered  }
0x9b: {  	s22 =	simm.s32 $0x1BFF;
	s21 =	sshll.u32 s5, $0x1;
	s2 =	sadd.s32 s19, s18  }
0x9c: {  	s6 =	simm.s32 $0x0;
	s20 =	sshll.u32 s4, $0x1;
	s4 =	sadd.s32 s21, s2  }
0x9d: {  	[timem:s6], [sflag:s22] =	dma.local [hbm:s4], s20  }
0x9e: {  	_ =	swait.ge [sflag:s22], s20  }
0x9f: {  	s3 =	ssub.s32 $0x0, s20;
	[sflag:s22] =	ssyncset.done $0x0  }
0xa0: {  	[sflag:s22] =	ssyncadd.s32 s3;
	_ =	sdelay $0x1  }
0xa1: {  	s23 =	simm.s32 $0x1B8B  }
0xa2: {  	_ =	swait.ge [sflag:s23], $0x1  }
0xa3: {  	[sflag:s23] =	ssyncset.done $0x0  }
0xa4: {  	s25 =	simm.s32 $0x1B8E;
	s24 =	sld [smem:$0x3FFE];
	[sflag:s23] =	ssyncadd.s32 $0xFFFFFFFF  }
0xa5: {  	s26 =	simm.s32 $execute0_lowered;
	[smem:$0x3FD2] =	sst s25  }
0xa6: {  	s4 =	sshll.u32 s26, $0x1;
	_ =	strace $0x80000046;
	[dreg:$0x1] =	wrdreg $0xFFFFFFFF  }
0xa7: {  	s28 =	simm.s32 $_size_execute0_lowered;
	s2 =	sadd.s32 s2, s4;
	[dreg:$0x0] =	wrdreg $0x0  }
0xa8: {  	s4 =	sshll.u32 s28, $0x1;
	[dreg:$0x2] =	wrdreg s2  }
0xa9: {  	[dreg:$0x3] =	wrdreg s4  }
0xaa: {  	[dreg:$0x4] =	wrdreg $0xC0  }
0xab: {  	_ =	task [dreg:s6], $0x5FFFF  }
0xac: {  	[dreg:$0x1] =	wrdreg $0xFFFFFFFF  }
0xad: {  	[dreg:$0x0] =	wrdreg $0x60  }
0xae: {  	[dreg:$0x2] =	wrdreg s24  }
0xaf: {  	[dreg:$0x3] =	wrdreg $0x9  }
0xb0: {  	_ =	task.clear_ibuf [dreg:s6], $0x4FFFF;
	_ =	strace $0x90000046  }
0xb1: {  	s29 =	simm.s32 $0x9;
	_ =	strace $0x80000048  }
0xb2: {  	_ =	swait.ge [sflag:s29], $0x1  }
0xb3: {  	[sflag:s29] =	ssyncadd.s32 $0xFFFFFFFF  }
0xb4: {  	_ =	strace $0x90000048  }
0xb5: {  	_ =	sfence  }
0xb6: {  	s30 =	sld [smem:$0x0];
	_ =	sdelay $0x2  }
0xb7: {  	s31 =	sshll.u32 s1, $0xD;
	s1 =	sshrl.u32 s1, $0x2  }
0xb8: {  	s3 =	sand.u32 $0x4000, s31;
	s1 =	sadd.s32 s1, s30  }
0xb9: {  	s0 =	sor.u32 s3, s0;
	s1 =	sshll.u32 s1, $0x11  }
0xba: {  	s0 =	sor.u32 s1, s0  }
0xbb: {  	s0 =	sadd.s32 $0x8F2B, s0  }
0xbc: {  	[sflag:s0] =	ssyncadd.remote.s32 $0x1  }
0xbd: {  	_ =	sfence.sel $0xFFFF  }
0xbe: {  	[dreg:$0x0] =	wrdreg $0xFFFFFFFF;
	(pc) =	sbr.abs _section_cstart, $3  }
0xbf: {  	[dreg:$0x1] =	wrdreg $0xFFFFFFFF  }
0xc0: {  	_ =	task.clear_ibuf [dreg:s6], $0x2FFFF;
	_ =	strace $0x9FFFFFFF  }
0xc1: {  	(tm) =	ssettm $0x7FFFFFFF  }
tec
execute0_lowered:
.L_overlay_start_1:
0x0: {  	(tag) =	ssettag $0x1  }
0x1: {  	s1 =	srdreg.scid;
	s0 =	stileid.u32  }
0x2: {  	s14 =	sand.u32 $0x1, s1;
	s28 =	sshll.u32 s0, $0x1  }
0x3: {  	s8 =	sor.u32 s14, s28  }
0x4: {  	s9 =	rddreg [dreg:$0x0];
	s13 =	smul.u32 $0x3400, s8  }
0x5: {  	s2 =	simm.s32 $0x0;
	s1 =	rddreg [dreg:$0x1]  }
0x6: {  	[smem:$0x7FF] =	sst s2;
	s15 =	sadd.s32 $0xE00, s9;
	s3 =	sshrl.u32 s13, $0x3  }
0x7: {  	_ =	strace $0x80000047;
	s4 =	sadd.s32 s15, s3;
	s3 =	simm.s32 $0x2  }
0x8: {  	[tilespmem:s2], [sflag:$0x2] =	stream.linear.gather [hbm4b:s4+s2], $0xD00, $0x38;
	[tilespmem:$0xDD00] =	vst v63  }
0x9: {  	_ =	swait.ge [sflag:s3], $0xD00  }
0xa: {  	s6 =	simm.s32 $0xD00;
	[sflag:s3] =	ssyncset.done $0x0  }
0xb: {  	s7 =	simm.s32 $0x1;
	s5 =	sadd.s32 $0x27AD200, s9;
	[sflag:s3] =	ssyncadd.s32 $0xFFFFF300  }
0xc: {  	[tilespmem:s6], [sflag:$0x1] =	stream.indirect.gather [hbm4b:s5+s6], $0x10, s2, s6, $0xb8;
	[tilespmem:$0xDD00] =	vst v63  }
0xd: {  	s8 =	smul.u32 $0x6800, s8;
	_ =	swait.ge [sflag:s7], $0xD000  }
0xe: {  	s16 =	sadd.s32 $0xDE00, s9;
	[sflag:s7] =	ssyncset.done $0x0  }
0xf: {  	s8 =	sadd.s32 s16, s8;
	[sflag:s7] =	ssyncadd.s32 $0xFFFF3000  }
0x10: {  	[hbm4b:s8+s2] =	stream.linear.scatter [tilespmem:s6], [sflag:$0x2], $0xD000, $0x38;
	[tilespmem:$0xDD00] =	vst v63  }
0x11: {  	s10 =	sadd.s32 $0xD00, s13;
	_ =	swait.ge [sflag:s3], $0xD000  }
0x12: {  	s29 =	sshrl.u32 s10, $0x3;
	[sflag:s3] =	ssyncset.done $0x0  }
0x13: {  	s9 =	sadd.s32 s15, s29;
	[sflag:s3] =	ssyncadd.s32 $0xFFFF3000  }
0x14: {  	[tilespmem:s2], [sflag:$0x2] =	stream.linear.gather [hbm4b:s9+s2], $0xD00, $0x38;
	[tilespmem:$0xDD00] =	vst v63  }
0x15: {  	_ =	swait.ge [sflag:s3], $0xD00  }
0x16: {  	[sflag:s3] =	ssyncset.done $0x0  }
0x17: {  	[sflag:s3] =	ssyncadd.s32 $0xFFFFF300  }
0x18: {  	[tilespmem:s6], [sflag:$0x1] =	stream.indirect.gather [hbm4b:s5+s6], $0x10, s2, s6, $0xb8;
	[tilespmem:$0xDD00] =	vst v63  }
0x19: {  	_ =	swait.ge [sflag:s7], $0xD000  }
0x1a: {  	s10 =	sshll.u32 s10, $0x1;
	[sflag:s7] =	ssyncset.done $0x0  }
0x1b: {  	s10 =	sadd.s32 s16, s10;
	[sflag:s7] =	ssyncadd.s32 $0xFFFF3000  }
0x1c: {  	[hbm4b:s10+s2] =	stream.linear.scatter [tilespmem:s6], [sflag:$0x2], $0xD000, $0x38;
	[tilespmem:$0xDD00] =	vst v63  }
0x1d: {  	s12 =	sadd.s32 $0x1A00, s13;
	_ =	swait.ge [sflag:s3], $0xD000  }
0x1e: {  	s11 =	sshrl.u32 s12, $0x3;
	[sflag:s3] =	ssyncset.done $0x0  }
0x1f: {  	s11 =	sadd.s32 s15, s11;
	[sflag:s3] =	ssyncadd.s32 $0xFFFF3000  }
0x20: {  	[tilespmem:s2], [sflag:$0x2] =	stream.linear.gather [hbm4b:s11+s2], $0xD00, $0x38;
	[tilespmem:$0xDD00] =	vst v63  }
0x21: {  	_ =	swait.ge [sflag:s3], $0xD00  }
0x22: {  	[sflag:s3] =	ssyncset.done $0x0  }
0x23: {  	[sflag:s3] =	ssyncadd.s32 $0xFFFFF300  }
0x24: {  	[tilespmem:s6], [sflag:$0x1] =	stream.indirect.gather [hbm4b:s5+s6], $0x10, s2, s6, $0xb8;
	[tilespmem:$0xDD00] =	vst v63  }
0x25: {  	_ =	swait.ge [sflag:s7], $0xD000  }
0x26: {  	s12 =	sshll.u32 s12, $0x1;
	[sflag:s7] =	ssyncset.done $0x0  }
0x27: {  	s12 =	sadd.s32 s16, s12;
	[sflag:s7] =	ssyncadd.s32 $0xFFFF3000  }
0x28: {  	[hbm4b:s12+s2] =	stream.linear.scatter [tilespmem:s6], [sflag:$0x2], $0xD000, $0x38;
	[tilespmem:$0xDD00] =	vst v63  }
0x29: {  	s17 =	sadd.s32 $0x2700, s13;
	_ =	swait.ge [sflag:s3], $0xD000  }
0x2a: {  	s13 =	sshrl.u32 s17, $0x3;
	[sflag:s3] =	ssyncset.done $0x0  }
0x2b: {  	s14 =	ssub.s32 $0x2, s14;
	s13 =	sadd.s32 s15, s13;
	[sflag:s3] =	ssyncadd.s32 $0xFFFF3000  }
0x2c: {  	[tilespmem:s2], [sflag:$0x2] =	stream.linear.gather [hbm4b:s13+s2], $0xD00, $0x38;
	[tilespmem:$0xDD00] =	vst v63  }
0x2d: {  	s30 =	sshrl.u32 s14, $0x1;
	_ =	swait.ge [sflag:s3], $0xD00  }
0x2e: {  	s15 =	ssub.s32 s14, s30;
	[sflag:s3] =	ssyncset.done $0x0  }
0x2f: {  	s15 =	smax.u32 s15, $0x1;
	[sflag:s3] =	ssyncadd.s32 $0xFFFFF300  }
0x30: {  	[tilespmem:s6], [sflag:$0x1] =	stream.indirect.gather [hbm4b:s5+s6], $0x10, s2, s6, $0xb8;
	[tilespmem:$0xDD00] =	vst v63  }
0x31: {  	p0 =	sne.s32 s15, $0x1;
	_ =	swait.ge [sflag:s7], $0xD000  }
.Ltmp0:
0x32: {  	s31 =	sshll.u32 s17, $0x1;
	[sflag:s7] =	ssyncset.done $0x0;
	(pc) =	sbr.rel @!p0 .LBB2_2-.Ltmp0, $4  }
0x33: {  	s14 =	sadd.s32 s16, s31;
	[sflag:s7] =	ssyncadd.s32 $0xFFFF3000  }
0x34: {  	[hbm4b:s14+s2] =	stream.linear.scatter [tilespmem:s6], [sflag:$0x2], $0xD000, $0x38;
	[tilespmem:$0xDD00] =	vst v63  }
0x35: {  	_ =	swait.ge [sflag:s3], $0xD000  }
0x36: {  	s15 =	sadd.s32 $0xFFFFFFFF, s15;
	[sflag:s3] =	ssyncset.done $0x0  }
.LBB2_1:
0x37: {  	p0 =	sne.s32 s15, $0x1;
	s15 =	sadd.s32 $0xFFFFFFFF, s15;
	[sflag:s3] =	ssyncadd.s32 $0xFFFF3000  }
0x38: {  	[tilespmem:s2], [sflag:$0x2] =	stream.linear.gather [hbm4b:s4+s2], $0xD00, $0x38;
	[tilespmem:$0xDD00] =	vst v63  }
0x39: {  	_ =	swait.ge [sflag:s3], $0xD00  }
0x3a: {  	[sflag:s3] =	ssyncset.done $0x0  }
0x3b: {  	[sflag:s3] =	ssyncadd.s32 $0xFFFFF300  }
0x3c: {  	[tilespmem:s6], [sflag:$0x1] =	stream.indirect.gather [hbm4b:s5+s6], $0x10, s2, s6, $0xb8;
	[tilespmem:$0xDD00] =	vst v63  }
0x3d: {  	_ =	swait.ge [sflag:s7], $0xD000  }
0x3e: {  	[sflag:s7] =	ssyncset.done $0x0  }
0x3f: {  	[sflag:s7] =	ssyncadd.s32 $0xFFFF3000  }
0x40: {  	[hbm4b:s8+s2] =	stream.linear.scatter [tilespmem:s6], [sflag:$0x2], $0xD000, $0x38;
	[tilespmem:$0xDD00] =	vst v63  }
0x41: {  	_ =	swait.ge [sflag:s3], $0xD000  }
0x42: {  	[sflag:s3] =	ssyncset.done $0x0  }
0x43: {  	[sflag:s3] =	ssyncadd.s32 $0xFFFF3000  }
0x44: {  	[tilespmem:s2], [sflag:$0x2] =	stream.linear.gather [hbm4b:s9+s2], $0xD00, $0x38;
	[tilespmem:$0xDD00] =	vst v63  }
0x45: {  	_ =	swait.ge [sflag:s3], $0xD00  }
0x46: {  	[sflag:s3] =	ssyncset.done $0x0  }
0x47: {  	[sflag:s3] =	ssyncadd.s32 $0xFFFFF300  }
0x48: {  	[tilespmem:s6], [sflag:$0x1] =	stream.indirect.gather [hbm4b:s5+s6], $0x10, s2, s6, $0xb8;
	[tilespmem:$0xDD00] =	vst v63  }
0x49: {  	_ =	swait.ge [sflag:s7], $0xD000  }
0x4a: {  	[sflag:s7] =	ssyncset.done $0x0  }
0x4b: {  	[sflag:s7] =	ssyncadd.s32 $0xFFFF3000  }
0x4c: {  	[hbm4b:s10+s2] =	stream.linear.scatter [tilespmem:s6], [sflag:$0x2], $0xD000, $0x38;
	[tilespmem:$0xDD00] =	vst v63  }
0x4d: {  	_ =	swait.ge [sflag:s3], $0xD000  }
0x4e: {  	[sflag:s3] =	ssyncset.done $0x0  }
0x4f: {  	[sflag:s3] =	ssyncadd.s32 $0xFFFF3000  }
0x50: {  	[tilespmem:s2], [sflag:$0x2] =	stream.linear.gather [hbm4b:s11+s2], $0xD00, $0x38;
	[tilespmem:$0xDD00] =	vst v63  }
0x51: {  	_ =	swait.ge [sflag:s3], $0xD00  }
0x52: {  	[sflag:s3] =	ssyncset.done $0x0  }
0x53: {  	[sflag:s3] =	ssyncadd.s32 $0xFFFFF300  }
0x54: {  	[tilespmem:s6], [sflag:$0x1] =	stream.indirect.gather [hbm4b:s5+s6], $0x10, s2, s6, $0xb8;
	[tilespmem:$0xDD00] =	vst v63  }
0x55: {  	_ =	swait.ge [sflag:s7], $0xD000  }
0x56: {  	[sflag:s7] =	ssyncset.done $0x0  }
0x57: {  	[sflag:s7] =	ssyncadd.s32 $0xFFFF3000  }
0x58: {  	[hbm4b:s12+s2] =	stream.linear.scatter [tilespmem:s6], [sflag:$0x2], $0xD000, $0x38;
	[tilespmem:$0xDD00] =	vst v63  }
0x59: {  	_ =	swait.ge [sflag:s3], $0xD000  }
0x5a: {  	[sflag:s3] =	ssyncset.done $0x0  }
0x5b: {  	[sflag:s3] =	ssyncadd.s32 $0xFFFF3000  }
0x5c: {  	[tilespmem:s2], [sflag:$0x2] =	stream.linear.gather [hbm4b:s13+s2], $0xD00, $0x38;
	[tilespmem:$0xDD00] =	vst v63  }
0x5d: {  	_ =	swait.ge [sflag:s3], $0xD00  }
0x5e: {  	[sflag:s3] =	ssyncset.done $0x0  }
0x5f: {  	[sflag:s3] =	ssyncadd.s32 $0xFFFFF300  }
0x60: {  	[tilespmem:s6], [sflag:$0x1] =	stream.indirect.gather [hbm4b:s5+s6], $0x10, s2, s6, $0xb8;
	[tilespmem:$0xDD00] =	vst v63  }
0x61: {  	_ =	swait.ge [sflag:s7], $0xD000  }
.Ltmp1:
0x62: {  	[sflag:s7] =	ssyncset.done $0x0;
	(pc) =	sbr.rel @p0 .LBB2_1-.Ltmp1, $4  }
0x63: {  	[sflag:s7] =	ssyncadd.s32 $0xFFFF3000  }
0x64: {  	[hbm4b:s14+s2] =	stream.linear.scatter [tilespmem:s6], [sflag:$0x2], $0xD000, $0x38;
	[tilespmem:$0xDD00] =	vst v63  }
0x65: {  	_ =	swait.ge [sflag:s3], $0xD000  }
0x66: {  	[sflag:s3] =	ssyncset.done $0x0  }
.LBB2_2:
0x67: {  	[sflag:s3] =	ssyncadd.s32 $0xFFFF3000  }
0x68: {  	_ =	sfence.sel $0x180000  }
0x69: {  	[bflag:$0x0] =	sbarrier.arrive $0xFFFF  }
0x6a: {  	p0 =	sne.s32 s0, $0x0;
	_ =	strace $0x90000047  }
0x6b: {  	s0 =	sadd.s32 @!p0 $0x100000, s1;
	[bflag:$0x2] =	sbarrier.arrive $0xFFFF  }
0x6c: {  	[sflag:s0] =	ssyncadd.tile.s32 @!p0 $0x1;
	_ =	shalt  }
.Lfunc_end2:
_tile_overlayer_lowered:
.L_overlay_start_2:
0x6d: {  	(tag) =	ssettag $0x2  }
0x6e: {  	s0 =	rddreg [dreg:$0x0];
	s2 =	stileid.u32  }
0x6f: {  	s1 =	rddreg [dreg:$0x1];
	p0 =	sne.s32 s2, $0x0  }
0x70: {  	s3 =	rddreg [dreg:$0x2];
	[bflag:$0x3] =	sbarrier.arrive $0xFFFF;
	s2 =	simm.s32 @!p0 $0x1C02  }
0x71: {  	[timem:s3], [sflag:s2] =	dma.local @!p0 [hbm:s0], s1  }
0x72: {  	s0 =	simm.s32 @!p0 $0x2  }
0x73: {  	_ =	swait.ge @!p0 [sflag:s0], s1  }
0x74: {  	s1 =	ssub.s32 @!p0 $0x0, s1;
	[sflag:s0] =	ssyncset.done @!p0 $0x0  }
0x75: {  	[sflag:s0] =	ssyncadd.s32 @!p0 s1  }
0x76: {  	[bflag:$0x3] =	sbarrier.arrive $0xFFFF  }
0x77: {  	_ =	shalt  }

</sc_bundles>
